<compile_context>
chip_gen: v7x
topology: tpu7x:2x2x1
jax: 0.10.2.dev20260603
libtpu: 0.0.44.dev20260713+nightly
codegen_flags: <defaults>
</compile_context>

<pallas_src>
import functools

import jax
import jax.numpy as jnp
from jax import lax
from jax.experimental import pallas as pl
from jax.experimental.pallas import tpu as pltpu
from jax.experimental.pallas import tpu_sc as plsc

T, N, C_IN, C_OUT, E = 12, 5000, 128, 16, 80000
H = C_OUT // 2
NP = 5008
HW = NP * H
CH = 8000
LANES = 16
UNROLL = 4


def _tc_body(x_ref, to_ref, w_ref, b_ref, wt_ref, ap_ref, h_ref, a2_ref):
    xt = x_ref[0]
    hT = lax.dot_general(w_ref[...], xt, (((1,), (1,)), ((), ())),
                         preferred_element_type=jnp.float32) + b_ref[...]
    hp = jnp.concatenate(
        [hT, jnp.zeros((C_OUT, NP - N), jnp.float32)], axis=1)
    h_ref[0] = hp
    te = lax.dot_general(to_ref[...], wt_ref[...], (((1,), (1,)), ((), ())),
                         preferred_element_type=jnp.float32)
    attn = jnp.dot(te, ap_ref[...],
                   preferred_element_type=jnp.float32)
    attn2 = jnp.concatenate([attn[:, :C_OUT], attn[:, C_OUT:]], axis=0)
    a2 = lax.dot_general(attn2, hT, (((1,), (0,)), ((), ())),
                         preferred_element_type=jnp.float32)
    m2 = jnp.max(a2, axis=1, keepdims=True)
    a2_ref[0] = jnp.concatenate(
        [a2, jnp.broadcast_to(m2, (2, NP - N))], axis=1)


def _tc_pre(x2, timeoh, W_mlp, b2, W_time, atten_pool):
    return pl.pallas_call(
        _tc_body,
        grid=(T,),
        in_specs=[
            pl.BlockSpec((1, N, C_IN), lambda t: (t, 0, 0)),
            pl.BlockSpec((1, 43), lambda t: (0, 0)),
            pl.BlockSpec((C_OUT, C_IN), lambda t: (0, 0)),
            pl.BlockSpec((C_OUT, 1), lambda t: (0, 0)),
            pl.BlockSpec((8, 43), lambda t: (0, 0)),
            pl.BlockSpec((8, 2 * C_OUT), lambda t: (0, 0)),
        ],
        out_specs=[
            pl.BlockSpec((1, C_OUT, NP), lambda t: (t, 0, 0)),
            pl.BlockSpec((1, 2, NP), lambda t: (t, 0, 0)),
        ],
        out_shape=[
            jax.ShapeDtypeStruct((T, C_OUT, NP), jnp.float32),
            jax.ShapeDtypeStruct((T, 2, NP), jnp.float32),
        ],
    )(x2, timeoh, W_mlp, b2, W_time, atten_pool)


NCH = E // CH
NBUF = 2


def _sc_body(h_hbm, a_hbm, src_hbm, dst_hbm, out_hbm,
             h_buf, out_buf, as_buf, ad_buf, rs_buf,
             src0, dst0, src1, dst1,
             sem_h, sem_as, sem_ad, sem_s0, sem_d0, sem_s1, sem_d1):
    cid = lax.axis_index("c")
    sid = lax.axis_index("s")
    t = sid
    half = cid
    bufs = ((src0, dst0, sem_s0, sem_d0), (src1, dst1, sem_s1, sem_d1))

    def start_chunk(i, b):
        off = pl.multiple_of(i * CH, 8)
        pltpu.async_copy(src_hbm.at[pl.ds(off, CH)], bufs[b][0], bufs[b][2])
        pltpu.async_copy(dst_hbm.at[pl.ds(off, CH)], bufs[b][1], bufs[b][3])

    def wait_chunk(b):
        pltpu.make_async_copy(src_hbm.at[pl.ds(0, CH)],
                              bufs[b][0], bufs[b][2]).wait()
        pltpu.make_async_copy(dst_hbm.at[pl.ds(0, CH)],
                              bufs[b][1], bufs[b][3]).wait()

    @pl.when(sid < T)
    def _run():
        cp_h = pltpu.async_copy(h_hbm.at[t, half], h_buf, sem_h)
        cp_as = pltpu.async_copy(a_hbm.at[t, 0], as_buf, sem_as)
        cp_ad = pltpu.async_copy(a_hbm.at[t, 1], ad_buf, sem_ad)
        start_chunk(0, 0)
        start_chunk(1, 1)

        zf = jnp.zeros((LANES,), jnp.float32)

        @plsc.parallel_loop(0, HW // LANES, unroll=8)
        def zero_out(i):
            out_buf[pl.ds(i * LANES, LANES)] = zf

        @plsc.parallel_loop(0, NP // LANES)
        def zero_rs(i):
            rs_buf[pl.ds(i * LANES, LANES)] = zf

        cp_h.wait()
        cp_as.wait()
        cp_ad.wait()

        mi = jnp.full((LANES,), N, jnp.int32)
        M = plsc.load_gather(as_buf, [mi]) + plsc.load_gather(ad_buf, [mi])

        def chunk_pair(k2, _):
            for b in range(NBUF):
                i = k2 * NBUF + b
                wait_chunk(b)
                src_buf, dst_buf = bufs[b][0], bufs[b][1]

                @plsc.parallel_loop(0, CH // LANES, unroll=UNROLL)
                def grp(g):
                    s_idx = src_buf[pl.ds(g * LANES, LANES)]
                    d_idx = dst_buf[pl.ds(g * LANES, LANES)]
                    av = (plsc.load_gather(as_buf, [s_idx])
                          + plsc.load_gather(ad_buf, [d_idx]))
                    lr = jnp.where(av >= 0.0, av, av * 0.01)
                    w = jnp.exp(lr - M)
                    plsc.addupdate_scatter(rs_buf, [s_idx], w)
                    for c in range(H):
                        col = plsc.load_gather(h_buf, [d_idx + c * NP])
                        plsc.addupdate_scatter(out_buf, [s_idx + c * NP],
                                               w * col)

                @pl.when(i + NBUF < NCH)
                def _prefetch():
                    start_chunk(i + NBUF, b)
            return None
        lax.fori_loop(0, NCH // NBUF, chunk_pair, None)

        @plsc.parallel_loop(0, NP // LANES)
        def div(i):
            rcp = 1.0 / (rs_buf[pl.ds(i * LANES, LANES)] + 9e-15)
            for c in range(H):
                off = pl.multiple_of(c * NP + i * LANES, 8)
                out_buf[pl.ds(off, LANES)] = out_buf[pl.ds(off, LANES)] * rcp

        pltpu.sync_copy(out_buf, out_hbm.at[t, half])


_sc_kernel = pl.kernel(
    _sc_body,
    out_type=jax.ShapeDtypeStruct((T, 2, HW), jnp.float32),
    mesh=plsc.VectorSubcoreMesh(core_axis_name="c", subcore_axis_name="s"),
    compiler_params=pltpu.CompilerParams(needs_layout_passes=False),
    scratch_types=[
        pltpu.VMEM((HW,), jnp.float32),
        pltpu.VMEM((HW,), jnp.float32),
        pltpu.VMEM((NP,), jnp.float32),
        pltpu.VMEM((NP,), jnp.float32),
        pltpu.VMEM((NP,), jnp.float32),
        pltpu.VMEM((CH,), jnp.int32),
        pltpu.VMEM((CH,), jnp.int32),
        pltpu.VMEM((CH,), jnp.int32),
        pltpu.VMEM((CH,), jnp.int32),
        pltpu.SemaphoreType.DMA,
        pltpu.SemaphoreType.DMA,
        pltpu.SemaphoreType.DMA,
        pltpu.SemaphoreType.DMA,
        pltpu.SemaphoreType.DMA,
        pltpu.SemaphoreType.DMA,
        pltpu.SemaphoreType.DMA,
    ],
)


@jax.jit
def kernel(x, timeoh, support, W_mlp, b_mlp, W_time, atten_pool):
    x2 = x[0]
    hp, a2 = _tc_pre(x2, timeoh, W_mlp, b_mlp.reshape(C_OUT, 1),
                     W_time, atten_pool)
    h_sc = hp.reshape(T, 2, HW)
    out_sc = _sc_kernel(h_sc, a2, support[0], support[1])
    out = out_sc.reshape(T, C_OUT, NP)[:, :, :N].transpose(0, 2, 1)
    return out[None]

# --- scband reference (transcript-rebuilt; emitter-appended) ---
"""Pipeline reference for scband-dy-gat-60696477827350 (READ-ONLY COPY).

The authoritative reference and input builder live on the scoring server;
editing this copy changes nothing except your own understanding.
"""

import jax, jax.numpy as jnp
import numpy as np

B, T, N, C_IN, C_OUT, E, TD = 1, 12, 5000, 128, 16, 80000, 8


def setup_inputs(seed: int = 0) -> dict:
    key = jax.random.key(seed)
    ks = jax.random.split(key, 8)
    x = jax.random.normal(ks[0], (B, T, N, C_IN), dtype=jnp.float32)
    timeoh = jax.random.uniform(ks[1], (B, 43), dtype=jnp.float32)
    support = jax.random.randint(ks[2], (2, E), 0, N, dtype=jnp.int32)
    W_mlp = 0.05 * jax.random.normal(ks[3], (C_OUT, C_IN), dtype=jnp.float32)
    b_mlp = jnp.zeros((C_OUT,), dtype=jnp.float32)
    W_time = 0.05 * jax.random.normal(ks[4], (TD, 43), dtype=jnp.float32)
    atten_pool = 0.1 * jax.random.normal(ks[5], (TD, 2 * C_OUT), dtype=jnp.float32)
    return {"x": x, "timeoh": timeoh, "support": support, "W_mlp": W_mlp,
            "b_mlp": b_mlp, "W_time": W_time, "atten_pool": atten_pool}


def _spmm(src, dst, values, n_nodes, matrix):
    # out[:, :, src[e], :] += values[:, :, e, None] * matrix[:, :, dst[e], :]
    msgs = values[..., None] * matrix[:, :, dst, :]
    out = jnp.zeros(matrix.shape[:2] + (n_nodes, matrix.shape[3]), matrix.dtype)
    return out.at[:, :, src, :].add(msgs)


def reference(x, timeoh, support, W_mlp, b_mlp, W_time, atten_pool):
    # h = Linear(c_in -> c_out)
    h = jnp.einsum('btnf,cf->btnc', x, W_mlp) + b_mlp  # (B,T,N,C_OUT)
    # time embedding (Linear without bias)
    time_emb = timeoh @ W_time.T                        # (B, TD)
    attn = time_emb @ atten_pool                        # (B, 2*C_OUT)
    src = support[0]
    dst = support[1]
    # sparse branch: gather endpoint features per edge
    edge_h = jnp.concatenate((h[:, :, src, :], h[:, :, dst, :]), axis=-1)  # (B,T,E,2*C_OUT)
    values = jnp.einsum('btnc,bc->btn', edge_h, attn)   # (B,T,E)
    edge_prob = jax.nn.leaky_relu(values, negative_slope=0.01)
    edge_e = jnp.exp(edge_prob - jnp.max(edge_prob, axis=2, keepdims=True))
    n_nodes = h.shape[2]
    ones_mat = jnp.ones((h.shape[0], h.shape[1], n_nodes, 1), dtype=jnp.float32)
    e_rowsum = _spmm(src, dst, edge_e, n_nodes, ones_mat)  # (B,T,N,1)
    h_prime = _spmm(src, dst, edge_e, n_nodes, h)          # (B,T,N,C_OUT)
    h_prime = h_prime / (e_rowsum + 9e-15)
    # dropout p=0.0 (eval) -> identity; concat=False -> no elu
    return h_prime

if __name__ == "__main__":
    import jax
    _d = setup_inputs()
    print(jax.jit(kernel)(*tuple(_d.values())))

</pallas_src>

<mosaic_0001>
#map = affine_map<(d0, d1) -> (0, 0, 0)>
#map1 = affine_map<(d0, d1) -> (0)>
module attributes {stable_mosaic.version = 14 : i64} {
  func.func @_sc_body(%arg0: i32, %arg1: i32, %arg2: memref<12x2x40064xf32, #tpu.memory_space<hbm>>, %arg3: memref<12x2x5008xf32, #tpu.memory_space<hbm>>, %arg4: memref<80000xi32, #tpu.memory_space<hbm>>, %arg5: memref<80000xi32, #tpu.memory_space<hbm>>, %arg6: memref<12x2x40064xf32, #tpu.memory_space<hbm>>, %arg7: memref<40064xf32, #tpu.memory_space<vmem>>, %arg8: memref<40064xf32, #tpu.memory_space<vmem>>, %arg9: memref<5008xf32, #tpu.memory_space<vmem>>, %arg10: memref<5008xf32, #tpu.memory_space<vmem>>, %arg11: memref<5008xf32, #tpu.memory_space<vmem>>, %arg12: memref<8000xi32, #tpu.memory_space<vmem>>, %arg13: memref<8000xi32, #tpu.memory_space<vmem>>, %arg14: memref<8000xi32, #tpu.memory_space<vmem>>, %arg15: memref<8000xi32, #tpu.memory_space<vmem>>, %arg16: memref<!tpu.dma_semaphore, #tpu.memory_space<semaphore_mem>>, %arg17: memref<!tpu.dma_semaphore, #tpu.memory_space<semaphore_mem>>, %arg18: memref<!tpu.dma_semaphore, #tpu.memory_space<semaphore_mem>>, %arg19: memref<!tpu.dma_semaphore, #tpu.memory_space<semaphore_mem>>, %arg20: memref<!tpu.dma_semaphore, #tpu.memory_space<semaphore_mem>>, %arg21: memref<!tpu.dma_semaphore, #tpu.memory_space<semaphore_mem>>, %arg22: memref<!tpu.dma_semaphore, #tpu.memory_space<semaphore_mem>>) attributes {dimension_semantics = [#tpu.dimension_semantics<core_parallel>, #tpu.dimension_semantics<subcore_parallel>], iteration_bounds = array<i64: 2, 16>, scalar_prefetch = 0 : i64, scratch_operands = 16 : i64, tpu.core_type = #tpu.core_type<sc_vector_subcore>, window_params = [{transform_indices = #map}, {transform_indices = #map}, {transform_indices = #map1}, {transform_indices = #map1}, {transform_indices = #map}]} {
    %lt3A = arith.constant 12 : i32
    %lt3A_0 = arith.cmpi slt, %arg1, %lt3A : i32
    %convert_element_type3A = arith.extui %lt3A_0 : i1 to i32
    %cond3A = arith.constant 0 : i32
    %cond3A_1 = arith.cmpi ne, %convert_element_type3A, %cond3A : i32
    scf.if %cond3A_1 {
      %dma_start3A = arith.constant 0 : i32
      %dma_start3A_2 = tpu.memref_slice %arg2[%arg1, %arg0, %dma_start3A] : memref<12x2x40064xf32, #tpu.memory_space<hbm>> -> memref<1x1x40064xf32, #tpu.memory_space<hbm>>
      %dma_start3A_3 = tpu.memref_squeeze %dma_start3A_2 : memref<1x1x40064xf32, #tpu.memory_space<hbm>> -> memref<40064xf32, #tpu.memory_space<hbm>>
      %dma_start3A_4 = arith.constant 0 : i32
      %dma_start3A_5 = tpu.memref_slice %arg2[%arg1, %arg0, %dma_start3A_4] : memref<12x2x40064xf32, #tpu.memory_space<hbm>> -> memref<1x1x40064xf32, #tpu.memory_space<hbm>>
      %dma_start3A_6 = tpu.memref_squeeze %dma_start3A_5 : memref<1x1x40064xf32, #tpu.memory_space<hbm>> -> memref<40064xf32, #tpu.memory_space<hbm>>
      tpu.enqueue_dma source(%dma_start3A_6 : memref<40064xf32, #tpu.memory_space<hbm>>) target(%arg7 : memref<40064xf32, #tpu.memory_space<vmem>>) target_semaphore(%arg16 : memref<!tpu.dma_semaphore, #tpu.memory_space<semaphore_mem>>)
      %dma_start3A_7 = arith.constant 0 : i32
      %dma_start3A_8 = arith.constant 0 : i32
      %dma_start3A_9 = tpu.memref_slice %arg3[%arg1, %dma_start3A_7, %dma_start3A_8] : memref<12x2x5008xf32, #tpu.memory_space<hbm>> -> memref<1x1x5008xf32, #tpu.memory_space<hbm>>
      %dma_start3A_10 = tpu.memref_squeeze %dma_start3A_9 : memref<1x1x5008xf32, #tpu.memory_space<hbm>> -> memref<5008xf32, #tpu.memory_space<hbm>>
      %dma_start3A_11 = arith.constant 0 : i32
      %dma_start3A_12 = tpu.memref_slice %arg3[%arg1, %dma_start3A_7, %dma_start3A_11] : memref<12x2x5008xf32, #tpu.memory_space<hbm>> -> memref<1x1x5008xf32, #tpu.memory_space<hbm>>
      %dma_start3A_13 = tpu.memref_squeeze %dma_start3A_12 : memref<1x1x5008xf32, #tpu.memory_space<hbm>> -> memref<5008xf32, #tpu.memory_space<hbm>>
      tpu.enqueue_dma source(%dma_start3A_13 : memref<5008xf32, #tpu.memory_space<hbm>>) target(%arg9 : memref<5008xf32, #tpu.memory_space<vmem>>) target_semaphore(%arg17 : memref<!tpu.dma_semaphore, #tpu.memory_space<semaphore_mem>>)
      %dma_start3A_14 = arith.constant 1 : i32
      %dma_start3A_15 = arith.constant 0 : i32
      %dma_start3A_16 = tpu.memref_slice %arg3[%arg1, %dma_start3A_14, %dma_start3A_15] : memref<12x2x5008xf32, #tpu.memory_space<hbm>> -> memref<1x1x5008xf32, #tpu.memory_space<hbm>>
      %dma_start3A_17 = tpu.memref_squeeze %dma_start3A_16 : memref<1x1x5008xf32, #tpu.memory_space<hbm>> -> memref<5008xf32, #tpu.memory_space<hbm>>
      %dma_start3A_18 = arith.constant 0 : i32
      %dma_start3A_19 = tpu.memref_slice %arg3[%arg1, %dma_start3A_14, %dma_start3A_18] : memref<12x2x5008xf32, #tpu.memory_space<hbm>> -> memref<1x1x5008xf32, #tpu.memory_space<hbm>>
      %dma_start3A_20 = tpu.memref_squeeze %dma_start3A_19 : memref<1x1x5008xf32, #tpu.memory_space<hbm>> -> memref<5008xf32, #tpu.memory_space<hbm>>
      tpu.enqueue_dma source(%dma_start3A_20 : memref<5008xf32, #tpu.memory_space<hbm>>) target(%arg10 : memref<5008xf32, #tpu.memory_space<vmem>>) target_semaphore(%arg18 : memref<!tpu.dma_semaphore, #tpu.memory_space<semaphore_mem>>)
      %multiple_of3A = arith.constant 0 : i32
      %multiple_of3A_21 = tpu.assume_multiple %multiple_of3A, 8 : i32
      %dma_start3A_22 = tpu.memref_slice %arg4[%multiple_of3A_21] : memref<80000xi32, #tpu.memory_space<hbm>> -> memref<8000xi32, #tpu.memory_space<hbm>>
      %dma_start3A_23 = tpu.memref_slice %arg4[%multiple_of3A_21] : memref<80000xi32, #tpu.memory_space<hbm>> -> memref<8000xi32, #tpu.memory_space<hbm>>
      tpu.enqueue_dma source(%dma_start3A_23 : memref<8000xi32, #tpu.memory_space<hbm>>) target(%arg12 : memref<8000xi32, #tpu.memory_space<vmem>>) target_semaphore(%arg19 : memref<!tpu.dma_semaphore, #tpu.memory_space<semaphore_mem>>)
      %dma_start3A_24 = tpu.memref_slice %arg5[%multiple_of3A_21] : memref<80000xi32, #tpu.memory_space<hbm>> -> memref<8000xi32, #tpu.memory_space<hbm>>
      %dma_start3A_25 = tpu.memref_slice %arg5[%multiple_of3A_21] : memref<80000xi32, #tpu.memory_space<hbm>> -> memref<8000xi32, #tpu.memory_space<hbm>>
      tpu.enqueue_dma source(%dma_start3A_25 : memref<8000xi32, #tpu.memory_space<hbm>>) target(%arg13 : memref<8000xi32, #tpu.memory_space<vmem>>) target_semaphore(%arg20 : memref<!tpu.dma_semaphore, #tpu.memory_space<semaphore_mem>>)
      %multiple_of3A_26 = arith.constant 8000 : i32
      %multiple_of3A_27 = tpu.assume_multiple %multiple_of3A_26, 8 : i32
      %dma_start3A_28 = tpu.memref_slice %arg4[%multiple_of3A_27] : memref<80000xi32, #tpu.memory_space<hbm>> -> memref<8000xi32, #tpu.memory_space<hbm>>
      %dma_start3A_29 = tpu.memref_slice %arg4[%multiple_of3A_27] : memref<80000xi32, #tpu.memory_space<hbm>> -> memref<8000xi32, #tpu.memory_space<hbm>>
      tpu.enqueue_dma source(%dma_start3A_29 : memref<8000xi32, #tpu.memory_space<hbm>>) target(%arg14 : memref<8000xi32, #tpu.memory_space<vmem>>) target_semaphore(%arg21 : memref<!tpu.dma_semaphore, #tpu.memory_space<semaphore_mem>>)
      %dma_start3A_30 = tpu.memref_slice %arg5[%multiple_of3A_27] : memref<80000xi32, #tpu.memory_space<hbm>> -> memref<8000xi32, #tpu.memory_space<hbm>>
      %dma_start3A_31 = tpu.memref_slice %arg5[%multiple_of3A_27] : memref<80000xi32, #tpu.memory_space<hbm>> -> memref<8000xi32, #tpu.memory_space<hbm>>
      tpu.enqueue_dma source(%dma_start3A_31 : memref<8000xi32, #tpu.memory_space<hbm>>) target(%arg15 : memref<8000xi32, #tpu.memory_space<vmem>>) target_semaphore(%arg22 : memref<!tpu.dma_semaphore, #tpu.memory_space<semaphore_mem>>)
      %broadcast_in_dim3A = arith.constant 0.000000e+00 : f32
      %broadcast_in_dim3A_32 = vector.broadcast %broadcast_in_dim3A : f32 to vector<16xf32>
      %parallel_loop3A = arith.constant 0 : i32
      %parallel_loop3A_33 = arith.constant 2504 : i32
      %parallel_loop3A_34 = arith.constant 1 : i32
      scf.for %parallel_loop3A_67 = %parallel_loop3A to %parallel_loop3A_33 step %parallel_loop3A_34  : i32 {
        %parallel_loop3A_68 = arith.constant 16 : i32
        %parallel_loop3A_69 = arith.muli %parallel_loop3A_67, %parallel_loop3A_68 : i32
        %parallel_loop3A_70 = arith.index_cast %parallel_loop3A_69 : i32 to index
        %parallel_loop3A_71 = tpu.vector_load %arg8[%parallel_loop3A_70] {strides = array<i32>} : memref<40064xf32, #tpu.memory_space<vmem>>, vector<16xf32>,
        tpu.vector_store %arg8[%parallel_loop3A_70], %broadcast_in_dim3A_32 {strides = array<i32>} : memref<40064xf32, #tpu.memory_space<vmem>>, vector<16xf32>,
      } {sc.loop_unroll_factor = 8 : i64, sc.parallel_access}
      %parallel_loop3A_35 = arith.constant 0 : i32
      %parallel_loop3A_36 = arith.constant 313 : i32
      %parallel_loop3A_37 = arith.constant 1 : i32
      scf.for %parallel_loop3A_67 = %parallel_loop3A_35 to %parallel_loop3A_36 step %parallel_loop3A_37  : i32 {
        %parallel_loop3A_68 = arith.constant 16 : i32
        %parallel_loop3A_69 = arith.muli %parallel_loop3A_67, %parallel_loop3A_68 : i32
        %parallel_loop3A_70 = arith.index_cast %parallel_loop3A_69 : i32 to index
        %parallel_loop3A_71 = tpu.vector_load %arg11[%parallel_loop3A_70] {strides = array<i32>} : memref<5008xf32, #tpu.memory_space<vmem>>, vector<16xf32>,
        tpu.vector_store %arg11[%parallel_loop3A_70], %broadcast_in_dim3A_32 {strides = array<i32>} : memref<5008xf32, #tpu.memory_space<vmem>>, vector<16xf32>,
      } {sc.loop_unroll_factor = 1 : i64, sc.parallel_access}
      %dma_wait3A = arith.constant 0 : i32
      %dma_wait3A_38 = tpu.memref_slice %arg2[%arg1, %arg0, %dma_wait3A] : memref<12x2x40064xf32, #tpu.memory_space<hbm>> -> memref<1x1x40064xf32, #tpu.memory_space<hbm>>
      %dma_wait3A_39 = tpu.memref_squeeze %dma_wait3A_38 : memref<1x1x40064xf32, #tpu.memory_space<hbm>> -> memref<40064xf32, #tpu.memory_space<hbm>>
      %dma_wait3A_40 = arith.constant 0 : i32
      %dma_wait3A_41 = tpu.memref_slice %arg2[%arg1, %arg0, %dma_wait3A_40] : memref<12x2x40064xf32, #tpu.memory_space<hbm>> -> memref<1x1x40064xf32, #tpu.memory_space<hbm>>
      %dma_wait3A_42 = tpu.memref_squeeze %dma_wait3A_41 : memref<1x1x40064xf32, #tpu.memory_space<hbm>> -> memref<40064xf32, #tpu.memory_space<hbm>>
      tpu.wait_dma2 semaphore(%arg16 : memref<!tpu.dma_semaphore, #tpu.memory_space<semaphore_mem>>) src(%dma_wait3A_42 : memref<40064xf32, #tpu.memory_space<hbm>>) dst(%arg7 : memref<40064xf32, #tpu.memory_space<vmem>>)
      %dma_wait3A_43 = arith.constant 0 : i32
      %dma_wait3A_44 = arith.constant 0 : i32
      %dma_wait3A_45 = tpu.memref_slice %arg3[%arg1, %dma_wait3A_43, %dma_wait3A_44] : memref<12x2x5008xf32, #tpu.memory_space<hbm>> -> memref<1x1x5008xf32, #tpu.memory_space<hbm>>
      %dma_wait3A_46 = tpu.memref_squeeze %dma_wait3A_45 : memref<1x1x5008xf32, #tpu.memory_space<hbm>> -> memref<5008xf32, #tpu.memory_space<hbm>>
      %dma_wait3A_47 = arith.constant 0 : i32
      %dma_wait3A_48 = tpu.memref_slice %arg3[%arg1, %dma_wait3A_43, %dma_wait3A_47] : memref<12x2x5008xf32, #tpu.memory_space<hbm>> -> memref<1x1x5008xf32, #tpu.memory_space<hbm>>
      %dma_wait3A_49 = tpu.memref_squeeze %dma_wait3A_48 : memref<1x1x5008xf32, #tpu.memory_space<hbm>> -> memref<5008xf32, #tpu.memory_space<hbm>>
      tpu.wait_dma2 semaphore(%arg17 : memref<!tpu.dma_semaphore, #tpu.memory_space<semaphore_mem>>) src(%dma_wait3A_49 : memref<5008xf32, #tpu.memory_space<hbm>>) dst(%arg9 : memref<5008xf32, #tpu.memory_space<vmem>>)
      %dma_wait3A_50 = arith.constant 1 : i32
      %dma_wait3A_51 = arith.constant 0 : i32
      %dma_wait3A_52 = tpu.memref_slice %arg3[%arg1, %dma_wait3A_50, %dma_wait3A_51] : memref<12x2x5008xf32, #tpu.memory_space<hbm>> -> memref<1x1x5008xf32, #tpu.memory_space<hbm>>
      %dma_wait3A_53 = tpu.memref_squeeze %dma_wait3A_52 : memref<1x1x5008xf32, #tpu.memory_space<hbm>> -> memref<5008xf32, #tpu.memory_space<hbm>>
      %dma_wait3A_54 = arith.constant 0 : i32
      %dma_wait3A_55 = tpu.memref_slice %arg3[%arg1, %dma_wait3A_50, %dma_wait3A_54] : memref<12x2x5008xf32, #tpu.memory_space<hbm>> -> memref<1x1x5008xf32, #tpu.memory_space<hbm>>
      %dma_wait3A_56 = tpu.memref_squeeze %dma_wait3A_55 : memref<1x1x5008xf32, #tpu.memory_space<hbm>> -> memref<5008xf32, #tpu.memory_space<hbm>>
      tpu.wait_dma2 semaphore(%arg18 : memref<!tpu.dma_semaphore, #tpu.memory_space<semaphore_mem>>) src(%dma_wait3A_56 : memref<5008xf32, #tpu.memory_space<hbm>>) dst(%arg10 : memref<5008xf32, #tpu.memory_space<vmem>>)
      %broadcast_in_dim3A_57 = arith.constant 5000 : i32
      %broadcast_in_dim3A_58 = vector.broadcast %broadcast_in_dim3A_57 : i32 to vector<16xi32>
      %gather3A = tpu.vector_load_idx %arg9[%broadcast_in_dim3A_58] : memref<5008xf32, #tpu.memory_space<vmem>>[vector<16xi32>], vector<16xf32>,
      %gather3A_59 = tpu.vector_load_idx %arg10[%broadcast_in_dim3A_58] : memref<5008xf32, #tpu.memory_space<vmem>>[vector<16xi32>], vector<16xf32>,
      %add3A = arith.addf %gather3A, %gather3A_59 : vector<16xf32>
      %scan3A = arith.constant 0 : i32
      %scan3A_60 = arith.constant 5 : i32
      %scan3A_61 = arith.addi %scan3A, %scan3A_60 : i32
      %scan3A_62 = arith.constant 1 : i32
      scf.for %scan3A_67 = %scan3A to %scan3A_61 step %scan3A_62  : i32 {
        %mul3A = arith.constant 2 : i32
        %mul3A_68 = arith.muli %scan3A_67, %mul3A : i32
        %add3A_69 = arith.constant 0 : i32
        %add3A_70 = arith.addi %mul3A_68, %add3A_69 : i32
        %dma_wait3A_71 = arith.constant 0 : i32
        %dma_wait3A_72 = tpu.memref_slice %arg4[%dma_wait3A_71] : memref<80000xi32, #tpu.memory_space<hbm>> -> memref<8000xi32, #tpu.memory_space<hbm>>
        %dma_wait3A_73 = arith.constant 0 : i32
        %dma_wait3A_74 = tpu.memref_slice %arg4[%dma_wait3A_73] : memref<80000xi32, #tpu.memory_space<hbm>> -> memref<8000xi32, #tpu.memory_space<hbm>>
        tpu.wait_dma2 semaphore(%arg19 : memref<!tpu.dma_semaphore, #tpu.memory_space<semaphore_mem>>) src(%dma_wait3A_74 : memref<8000xi32, #tpu.memory_space<hbm>>) dst(%arg12 : memref<8000xi32, #tpu.memory_space<vmem>>)
        %dma_wait3A_75 = arith.constant 0 : i32
        %dma_wait3A_76 = tpu.memref_slice %arg5[%dma_wait3A_75] : memref<80000xi32, #tpu.memory_space<hbm>> -> memref<8000xi32, #tpu.memory_space<hbm>>
        %dma_wait3A_77 = arith.constant 0 : i32
        %dma_wait3A_78 = tpu.memref_slice %arg5[%dma_wait3A_77] : memref<80000xi32, #tpu.memory_space<hbm>> -> memref<8000xi32, #tpu.memory_space<hbm>>
        tpu.wait_dma2 semaphore(%arg20 : memref<!tpu.dma_semaphore, #tpu.memory_space<semaphore_mem>>) src(%dma_wait3A_78 : memref<8000xi32, #tpu.memory_space<hbm>>) dst(%arg13 : memref<8000xi32, #tpu.memory_space<vmem>>)
        %parallel_loop3A_79 = arith.constant 0 : i32
        %parallel_loop3A_80 = arith.constant 500 : i32
        %parallel_loop3A_81 = arith.constant 1 : i32
        scf.for %parallel_loop3A_111 = %parallel_loop3A_79 to %parallel_loop3A_80 step %parallel_loop3A_81  : i32 {
          %parallel_loop3A_112 = arith.constant 16 : i32
          %parallel_loop3A_113 = arith.muli %parallel_loop3A_111, %parallel_loop3A_112 : i32
          %parallel_loop3A_114 = arith.index_cast %parallel_loop3A_113 : i32 to index
          %parallel_loop3A_115 = tpu.vector_load %arg12[%parallel_loop3A_114] {strides = array<i32>} : memref<8000xi32, #tpu.memory_space<vmem>>, vector<16xi32>,
          %parallel_loop3A_116 = arith.constant 16 : i32
          %parallel_loop3A_117 = arith.muli %parallel_loop3A_111, %parallel_loop3A_116 : i32
          %parallel_loop3A_118 = arith.index_cast %parallel_loop3A_117 : i32 to index
          %parallel_loop3A_119 = tpu.vector_load %arg13[%parallel_loop3A_118] {strides = array<i32>} : memref<8000xi32, #tpu.memory_space<vmem>>, vector<16xi32>,
          %parallel_loop3A_120 = tpu.vector_load_idx %arg9[%parallel_loop3A_115] : memref<5008xf32, #tpu.memory_space<vmem>>[vector<16xi32>], vector<16xf32>,
          %parallel_loop3A_121 = tpu.vector_load_idx %arg10[%parallel_loop3A_119] : memref<5008xf32, #tpu.memory_space<vmem>>[vector<16xi32>], vector<16xf32>,
          %parallel_loop3A_122 = arith.addf %parallel_loop3A_120, %parallel_loop3A_121 : vector<16xf32>
          %parallel_loop3A_123 = arith.constant 0.000000e+00 : f32
          %parallel_loop3A_124 = vector.broadcast %parallel_loop3A_123 : f32 to vector<16xf32>
          %parallel_loop3A_125 = arith.cmpf oge, %parallel_loop3A_122, %parallel_loop3A_124 : vector<16xf32>
          %parallel_loop3A_126 = arith.constant 0.00999999977 : f32
          %parallel_loop3A_127 = vector.broadcast %parallel_loop3A_126 : f32 to vector<16xf32>
          %parallel_loop3A_128 = arith.mulf %parallel_loop3A_122, %parallel_loop3A_127 : vector<16xf32>
          %parallel_loop3A_129 = arith.select %parallel_loop3A_125, %parallel_loop3A_122, %parallel_loop3A_128 : vector<16xi1>, vector<16xf32>
          %parallel_loop3A_130 = arith.subf %parallel_loop3A_129, %add3A : vector<16xf32>
          %parallel_loop3A_131 = math.exp %parallel_loop3A_130 : vector<16xf32>
          tpu.vector_store_idx %arg11[%parallel_loop3A_115], %parallel_loop3A_131 {add = true} : memref<5008xf32, #tpu.memory_space<vmem>>[vector<16xi32>], vector<16xf32>,
          %parallel_loop3A_132 = arith.constant 0 : i32
          %parallel_loop3A_133 = vector.broadcast %parallel_loop3A_132 : i32 to vector<16xi32>
          %parallel_loop3A_134 = arith.addi %parallel_loop3A_119, %parallel_loop3A_133 : vector<16xi32>
          %parallel_loop3A_135 = tpu.vector_load_idx %arg7[%parallel_loop3A_134] : memref<40064xf32, #tpu.memory_space<vmem>>[vector<16xi32>], vector<16xf32>,
          %parallel_loop3A_136 = arith.constant 0 : i32
          %parallel_loop3A_137 = vector.broadcast %parallel_loop3A_136 : i32 to vector<16xi32>
          %parallel_loop3A_138 = arith.addi %parallel_loop3A_115, %parallel_loop3A_137 : vector<16xi32>
          %parallel_loop3A_139 = arith.mulf %parallel_loop3A_131, %parallel_loop3A_135 : vector<16xf32>
          tpu.vector_store_idx %arg8[%parallel_loop3A_138], %parallel_loop3A_139 {add = true} : memref<40064xf32, #tpu.memory_space<vmem>>[vector<16xi32>], vector<16xf32>,
          %parallel_loop3A_140 = arith.constant 5008 : i32
          %parallel_loop3A_141 = vector.broadcast %parallel_loop3A_140 : i32 to vector<16xi32>
          %parallel_loop3A_142 = arith.addi %parallel_loop3A_119, %parallel_loop3A_141 : vector<16xi32>
          %parallel_loop3A_143 = tpu.vector_load_idx %arg7[%parallel_loop3A_142] : memref<40064xf32, #tpu.memory_space<vmem>>[vector<16xi32>], vector<16xf32>,
          %parallel_loop3A_144 = arith.constant 5008 : i32
          %parallel_loop3A_145 = vector.broadcast %parallel_loop3A_144 : i32 to vector<16xi32>
          %parallel_loop3A_146 = arith.addi %parallel_loop3A_115, %parallel_loop3A_145 : vector<16xi32>
          %parallel_loop3A_147 = arith.mulf %parallel_loop3A_131, %parallel_loop3A_143 : vector<16xf32>
          tpu.vector_store_idx %arg8[%parallel_loop3A_146], %parallel_loop3A_147 {add = true} : memref<40064xf32, #tpu.memory_space<vmem>>[vector<16xi32>], vector<16xf32>,
          %parallel_loop3A_148 = arith.constant 10016 : i32
          %parallel_loop3A_149 = vector.broadcast %parallel_loop3A_148 : i32 to vector<16xi32>
          %parallel_loop3A_150 = arith.addi %parallel_loop3A_119, %parallel_loop3A_149 : vector<16xi32>
          %parallel_loop3A_151 = tpu.vector_load_idx %arg7[%parallel_loop3A_150] : memref<40064xf32, #tpu.memory_space<vmem>>[vector<16xi32>], vector<16xf32>,
          %parallel_loop3A_152 = arith.constant 10016 : i32
          %parallel_loop3A_153 = vector.broadcast %parallel_loop3A_152 : i32 to vector<16xi32>
          %parallel_loop3A_154 = arith.addi %parallel_loop3A_115, %parallel_loop3A_153 : vector<16xi32>
          %parallel_loop3A_155 = arith.mulf %parallel_loop3A_131, %parallel_loop3A_151 : vector<16xf32>
          tpu.vector_store_idx %arg8[%parallel_loop3A_154], %parallel_loop3A_155 {add = true} : memref<40064xf32, #tpu.memory_space<vmem>>[vector<16xi32>], vector<16xf32>,
          %parallel_loop3A_156 = arith.constant 15024 : i32
          %parallel_loop3A_157 = vector.broadcast %parallel_loop3A_156 : i32 to vector<16xi32>
          %parallel_loop3A_158 = arith.addi %parallel_loop3A_119, %parallel_loop3A_157 : vector<16xi32>
          %parallel_loop3A_159 = tpu.vector_load_idx %arg7[%parallel_loop3A_158] : memref<40064xf32, #tpu.memory_space<vmem>>[vector<16xi32>], vector<16xf32>,
          %parallel_loop3A_160 = arith.constant 15024 : i32
          %parallel_loop3A_161 = vector.broadcast %parallel_loop3A_160 : i32 to vector<16xi32>
          %parallel_loop3A_162 = arith.addi %parallel_loop3A_115, %parallel_loop3A_161 : vector<16xi32>
          %parallel_loop3A_163 = arith.mulf %parallel_loop3A_131, %parallel_loop3A_159 : vector<16xf32>
          tpu.vector_store_idx %arg8[%parallel_loop3A_162], %parallel_loop3A_163 {add = true} : memref<40064xf32, #tpu.memory_space<vmem>>[vector<16xi32>], vector<16xf32>,
          %parallel_loop3A_164 = arith.constant 20032 : i32
          %parallel_loop3A_165 = vector.broadcast %parallel_loop3A_164 : i32 to vector<16xi32>
          %parallel_loop3A_166 = arith.addi %parallel_loop3A_119, %parallel_loop3A_165 : vector<16xi32>
          %parallel_loop3A_167 = tpu.vector_load_idx %arg7[%parallel_loop3A_166] : memref<40064xf32, #tpu.memory_space<vmem>>[vector<16xi32>], vector<16xf32>,
          %parallel_loop3A_168 = arith.constant 20032 : i32
          %parallel_loop3A_169 = vector.broadcast %parallel_loop3A_168 : i32 to vector<16xi32>
          %parallel_loop3A_170 = arith.addi %parallel_loop3A_115, %parallel_loop3A_169 : vector<16xi32>
          %parallel_loop3A_171 = arith.mulf %parallel_loop3A_131, %parallel_loop3A_167 : vector<16xf32>
          tpu.vector_store_idx %arg8[%parallel_loop3A_170], %parallel_loop3A_171 {add = true} : memref<40064xf32, #tpu.memory_space<vmem>>[vector<16xi32>], vector<16xf32>,
          %parallel_loop3A_172 = arith.constant 25040 : i32
          %parallel_loop3A_173 = vector.broadcast %parallel_loop3A_172 : i32 to vector<16xi32>
          %parallel_loop3A_174 = arith.addi %parallel_loop3A_119, %parallel_loop3A_173 : vector<16xi32>
          %parallel_loop3A_175 = tpu.vector_load_idx %arg7[%parallel_loop3A_174] : memref<40064xf32, #tpu.memory_space<vmem>>[vector<16xi32>], vector<16xf32>,
          %parallel_loop3A_176 = arith.constant 25040 : i32
          %parallel_loop3A_177 = vector.broadcast %parallel_loop3A_176 : i32 to vector<16xi32>
          %parallel_loop3A_178 = arith.addi %parallel_loop3A_115, %parallel_loop3A_177 : vector<16xi32>
          %parallel_loop3A_179 = arith.mulf %parallel_loop3A_131, %parallel_loop3A_175 : vector<16xf32>
          tpu.vector_store_idx %arg8[%parallel_loop3A_178], %parallel_loop3A_179 {add = true} : memref<40064xf32, #tpu.memory_space<vmem>>[vector<16xi32>], vector<16xf32>,
          %parallel_loop3A_180 = arith.constant 30048 : i32
          %parallel_loop3A_181 = vector.broadcast %parallel_loop3A_180 : i32 to vector<16xi32>
          %parallel_loop3A_182 = arith.addi %parallel_loop3A_119, %parallel_loop3A_181 : vector<16xi32>
          %parallel_loop3A_183 = tpu.vector_load_idx %arg7[%parallel_loop3A_182] : memref<40064xf32, #tpu.memory_space<vmem>>[vector<16xi32>], vector<16xf32>,
          %parallel_loop3A_184 = arith.constant 30048 : i32
          %parallel_loop3A_185 = vector.broadcast %parallel_loop3A_184 : i32 to vector<16xi32>
          %parallel_loop3A_186 = arith.addi %parallel_loop3A_115, %parallel_loop3A_185 : vector<16xi32>
          %parallel_loop3A_187 = arith.mulf %parallel_loop3A_131, %parallel_loop3A_183 : vector<16xf32>
          tpu.vector_store_idx %arg8[%parallel_loop3A_186], %parallel_loop3A_187 {add = true} : memref<40064xf32, #tpu.memory_space<vmem>>[vector<16xi32>], vector<16xf32>,
          %parallel_loop3A_188 = arith.constant 35056 : i32
          %parallel_loop3A_189 = vector.broadcast %parallel_loop3A_188 : i32 to vector<16xi32>
          %parallel_loop3A_190 = arith.addi %parallel_loop3A_119, %parallel_loop3A_189 : vector<16xi32>
          %parallel_loop3A_191 = tpu.vector_load_idx %arg7[%parallel_loop3A_190] : memref<40064xf32, #tpu.memory_space<vmem>>[vector<16xi32>], vector<16xf32>,
          %parallel_loop3A_192 = arith.constant 35056 : i32
          %parallel_loop3A_193 = vector.broadcast %parallel_loop3A_192 : i32 to vector<16xi32>
          %parallel_loop3A_194 = arith.addi %parallel_loop3A_115, %parallel_loop3A_193 : vector<16xi32>
          %parallel_loop3A_195 = arith.mulf %parallel_loop3A_131, %parallel_loop3A_191 : vector<16xf32>
          tpu.vector_store_idx %arg8[%parallel_loop3A_194], %parallel_loop3A_195 {add = true} : memref<40064xf32, #tpu.memory_space<vmem>>[vector<16xi32>], vector<16xf32>,
        } {sc.loop_unroll_factor = 4 : i64, sc.parallel_access}
        %add3A_82 = arith.constant 2 : i32
        %add3A_83 = arith.addi %add3A_70, %add3A_82 : i32
        %lt3A_84 = arith.constant 10 : i32
        %lt3A_85 = arith.cmpi slt, %add3A_83, %lt3A_84 : i32
        %convert_element_type3A_86 = arith.extui %lt3A_85 : i1 to i32
        %cond3A_87 = arith.constant 0 : i32
        %cond3A_88 = arith.cmpi ne, %convert_element_type3A_86, %cond3A_87 : i32
        scf.if %cond3A_88 {
          %add3A_111 = arith.constant 2 : i32
          %add3A_112 = arith.addi %add3A_70, %add3A_111 : i32
          %mul3A_113 = arith.constant 8000 : i32
          %mul3A_114 = arith.muli %add3A_112, %mul3A_113 : i32
          %multiple_of3A_115 = tpu.assume_multiple %mul3A_114, 8 : i32
          %dma_start3A_116 = tpu.memref_slice %arg4[%multiple_of3A_115] : memref<80000xi32, #tpu.memory_space<hbm>> -> memref<8000xi32, #tpu.memory_space<hbm>>
          %dma_start3A_117 = tpu.memref_slice %arg4[%multiple_of3A_115] : memref<80000xi32, #tpu.memory_space<hbm>> -> memref<8000xi32, #tpu.memory_space<hbm>>
          tpu.enqueue_dma source(%dma_start3A_117 : memref<8000xi32, #tpu.memory_space<hbm>>) target(%arg12 : memref<8000xi32, #tpu.memory_space<vmem>>) target_semaphore(%arg19 : memref<!tpu.dma_semaphore, #tpu.memory_space<semaphore_mem>>)
          %dma_start3A_118 = tpu.memref_slice %arg5[%multiple_of3A_115] : memref<80000xi32, #tpu.memory_space<hbm>> -> memref<8000xi32, #tpu.memory_space<hbm>>
          %dma_start3A_119 = tpu.memref_slice %arg5[%multiple_of3A_115] : memref<80000xi32, #tpu.memory_space<hbm>> -> memref<8000xi32, #tpu.memory_space<hbm>>
          tpu.enqueue_dma source(%dma_start3A_119 : memref<8000xi32, #tpu.memory_space<hbm>>) target(%arg13 : memref<8000xi32, #tpu.memory_space<vmem>>) target_semaphore(%arg20 : memref<!tpu.dma_semaphore, #tpu.memory_space<semaphore_mem>>)
        } else {
        }
        %mul3A_89 = arith.constant 2 : i32
        %mul3A_90 = arith.muli %scan3A_67, %mul3A_89 : i32
        %add3A_91 = arith.constant 1 : i32
        %add3A_92 = arith.addi %mul3A_90, %add3A_91 : i32
        %dma_wait3A_93 = arith.constant 0 : i32
        %dma_wait3A_94 = tpu.memref_slice %arg4[%dma_wait3A_93] : memref<80000xi32, #tpu.memory_space<hbm>> -> memref<8000xi32, #tpu.memory_space<hbm>>
        %dma_wait3A_95 = arith.constant 0 : i32
        %dma_wait3A_96 = tpu.memref_slice %arg4[%dma_wait3A_95] : memref<80000xi32, #tpu.memory_space<hbm>> -> memref<8000xi32, #tpu.memory_space<hbm>>
        tpu.wait_dma2 semaphore(%arg21 : memref<!tpu.dma_semaphore, #tpu.memory_space<semaphore_mem>>) src(%dma_wait3A_96 : memref<8000xi32, #tpu.memory_space<hbm>>) dst(%arg14 : memref<8000xi32, #tpu.memory_space<vmem>>)
        %dma_wait3A_97 = arith.constant 0 : i32
        %dma_wait3A_98 = tpu.memref_slice %arg5[%dma_wait3A_97] : memref<80000xi32, #tpu.memory_space<hbm>> -> memref<8000xi32, #tpu.memory_space<hbm>>
        %dma_wait3A_99 = arith.constant 0 : i32
        %dma_wait3A_100 = tpu.memref_slice %arg5[%dma_wait3A_99] : memref<80000xi32, #tpu.memory_space<hbm>> -> memref<8000xi32, #tpu.memory_space<hbm>>
        tpu.wait_dma2 semaphore(%arg22 : memref<!tpu.dma_semaphore, #tpu.memory_space<semaphore_mem>>) src(%dma_wait3A_100 : memref<8000xi32, #tpu.memory_space<hbm>>) dst(%arg15 : memref<8000xi32, #tpu.memory_space<vmem>>)
        %parallel_loop3A_101 = arith.constant 0 : i32
        %parallel_loop3A_102 = arith.constant 500 : i32
        %parallel_loop3A_103 = arith.constant 1 : i32
        scf.for %parallel_loop3A_111 = %parallel_loop3A_101 to %parallel_loop3A_102 step %parallel_loop3A_103  : i32 {
          %parallel_loop3A_112 = arith.constant 16 : i32
          %parallel_loop3A_113 = arith.muli %parallel_loop3A_111, %parallel_loop3A_112 : i32
          %parallel_loop3A_114 = arith.index_cast %parallel_loop3A_113 : i32 to index
          %parallel_loop3A_115 = tpu.vector_load %arg14[%parallel_loop3A_114] {strides = array<i32>} : memref<8000xi32, #tpu.memory_space<vmem>>, vector<16xi32>,
          %parallel_loop3A_116 = arith.constant 16 : i32
          %parallel_loop3A_117 = arith.muli %parallel_loop3A_111, %parallel_loop3A_116 : i32
          %parallel_loop3A_118 = arith.index_cast %parallel_loop3A_117 : i32 to index
          %parallel_loop3A_119 = tpu.vector_load %arg15[%parallel_loop3A_118] {strides = array<i32>} : memref<8000xi32, #tpu.memory_space<vmem>>, vector<16xi32>,
          %parallel_loop3A_120 = tpu.vector_load_idx %arg9[%parallel_loop3A_115] : memref<5008xf32, #tpu.memory_space<vmem>>[vector<16xi32>], vector<16xf32>,
          %parallel_loop3A_121 = tpu.vector_load_idx %arg10[%parallel_loop3A_119] : memref<5008xf32, #tpu.memory_space<vmem>>[vector<16xi32>], vector<16xf32>,
          %parallel_loop3A_122 = arith.addf %parallel_loop3A_120, %parallel_loop3A_121 : vector<16xf32>
          %parallel_loop3A_123 = arith.constant 0.000000e+00 : f32
          %parallel_loop3A_124 = vector.broadcast %parallel_loop3A_123 : f32 to vector<16xf32>
          %parallel_loop3A_125 = arith.cmpf oge, %parallel_loop3A_122, %parallel_loop3A_124 : vector<16xf32>
          %parallel_loop3A_126 = arith.constant 0.00999999977 : f32
          %parallel_loop3A_127 = vector.broadcast %parallel_loop3A_126 : f32 to vector<16xf32>
          %parallel_loop3A_128 = arith.mulf %parallel_loop3A_122, %parallel_loop3A_127 : vector<16xf32>
          %parallel_loop3A_129 = arith.select %parallel_loop3A_125, %parallel_loop3A_122, %parallel_loop3A_128 : vector<16xi1>, vector<16xf32>
          %parallel_loop3A_130 = arith.subf %parallel_loop3A_129, %add3A : vector<16xf32>
          %parallel_loop3A_131 = math.exp %parallel_loop3A_130 : vector<16xf32>
          tpu.vector_store_idx %arg11[%parallel_loop3A_115], %parallel_loop3A_131 {add = true} : memref<5008xf32, #tpu.memory_space<vmem>>[vector<16xi32>], vector<16xf32>,
          %parallel_loop3A_132 = arith.constant 0 : i32
          %parallel_loop3A_133 = vector.broadcast %parallel_loop3A_132 : i32 to vector<16xi32>
          %parallel_loop3A_134 = arith.addi %parallel_loop3A_119, %parallel_loop3A_133 : vector<16xi32>
          %parallel_loop3A_135 = tpu.vector_load_idx %arg7[%parallel_loop3A_134] : memref<40064xf32, #tpu.memory_space<vmem>>[vector<16xi32>], vector<16xf32>,
          %parallel_loop3A_136 = arith.constant 0 : i32
          %parallel_loop3A_137 = vector.broadcast %parallel_loop3A_136 : i32 to vector<16xi32>
          %parallel_loop3A_138 = arith.addi %parallel_loop3A_115, %parallel_loop3A_137 : vector<16xi32>
          %parallel_loop3A_139 = arith.mulf %parallel_loop3A_131, %parallel_loop3A_135 : vector<16xf32>
          tpu.vector_store_idx %arg8[%parallel_loop3A_138], %parallel_loop3A_139 {add = true} : memref<40064xf32, #tpu.memory_space<vmem>>[vector<16xi32>], vector<16xf32>,
          %parallel_loop3A_140 = arith.constant 5008 : i32
          %parallel_loop3A_141 = vector.broadcast %parallel_loop3A_140 : i32 to vector<16xi32>
          %parallel_loop3A_142 = arith.addi %parallel_loop3A_119, %parallel_loop3A_141 : vector<16xi32>
          %parallel_loop3A_143 = tpu.vector_load_idx %arg7[%parallel_loop3A_142] : memref<40064xf32, #tpu.memory_space<vmem>>[vector<16xi32>], vector<16xf32>,
          %parallel_loop3A_144 = arith.constant 5008 : i32
          %parallel_loop3A_145 = vector.broadcast %parallel_loop3A_144 : i32 to vector<16xi32>
          %parallel_loop3A_146 = arith.addi %parallel_loop3A_115, %parallel_loop3A_145 : vector<16xi32>
          %parallel_loop3A_147 = arith.mulf %parallel_loop3A_131, %parallel_loop3A_143 : vector<16xf32>
          tpu.vector_store_idx %arg8[%parallel_loop3A_146], %parallel_loop3A_147 {add = true} : memref<40064xf32, #tpu.memory_space<vmem>>[vector<16xi32>], vector<16xf32>,
          %parallel_loop3A_148 = arith.constant 10016 : i32
          %parallel_loop3A_149 = vector.broadcast %parallel_loop3A_148 : i32 to vector<16xi32>
          %parallel_loop3A_150 = arith.addi %parallel_loop3A_119, %parallel_loop3A_149 : vector<16xi32>
          %parallel_loop3A_151 = tpu.vector_load_idx %arg7[%parallel_loop3A_150] : memref<40064xf32, #tpu.memory_space<vmem>>[vector<16xi32>], vector<16xf32>,
          %parallel_loop3A_152 = arith.constant 10016 : i32
          %parallel_loop3A_153 = vector.broadcast %parallel_loop3A_152 : i32 to vector<16xi32>
          %parallel_loop3A_154 = arith.addi %parallel_loop3A_115, %parallel_loop3A_153 : vector<16xi32>
          %parallel_loop3A_155 = arith.mulf %parallel_loop3A_131, %parallel_loop3A_151 : vector<16xf32>
          tpu.vector_store_idx %arg8[%parallel_loop3A_154], %parallel_loop3A_155 {add = true} : memref<40064xf32, #tpu.memory_space<vmem>>[vector<16xi32>], vector<16xf32>,
          %parallel_loop3A_156 = arith.constant 15024 : i32
          %parallel_loop3A_157 = vector.broadcast %parallel_loop3A_156 : i32 to vector<16xi32>
          %parallel_loop3A_158 = arith.addi %parallel_loop3A_119, %parallel_loop3A_157 : vector<16xi32>
          %parallel_loop3A_159 = tpu.vector_load_idx %arg7[%parallel_loop3A_158] : memref<40064xf32, #tpu.memory_space<vmem>>[vector<16xi32>], vector<16xf32>,
          %parallel_loop3A_160 = arith.constant 15024 : i32
          %parallel_loop3A_161 = vector.broadcast %parallel_loop3A_160 : i32 to vector<16xi32>
          %parallel_loop3A_162 = arith.addi %parallel_loop3A_115, %parallel_loop3A_161 : vector<16xi32>
          %parallel_loop3A_163 = arith.mulf %parallel_loop3A_131, %parallel_loop3A_159 : vector<16xf32>
          tpu.vector_store_idx %arg8[%parallel_loop3A_162], %parallel_loop3A_163 {add = true} : memref<40064xf32, #tpu.memory_space<vmem>>[vector<16xi32>], vector<16xf32>,
          %parallel_loop3A_164 = arith.constant 20032 : i32
          %parallel_loop3A_165 = vector.broadcast %parallel_loop3A_164 : i32 to vector<16xi32>
          %parallel_loop3A_166 = arith.addi %parallel_loop3A_119, %parallel_loop3A_165 : vector<16xi32>
          %parallel_loop3A_167 = tpu.vector_load_idx %arg7[%parallel_loop3A_166] : memref<40064xf32, #tpu.memory_space<vmem>>[vector<16xi32>], vector<16xf32>,
          %parallel_loop3A_168 = arith.constant 20032 : i32
          %parallel_loop3A_169 = vector.broadcast %parallel_loop3A_168 : i32 to vector<16xi32>
          %parallel_loop3A_170 = arith.addi %parallel_loop3A_115, %parallel_loop3A_169 : vector<16xi32>
          %parallel_loop3A_171 = arith.mulf %parallel_loop3A_131, %parallel_loop3A_167 : vector<16xf32>
          tpu.vector_store_idx %arg8[%parallel_loop3A_170], %parallel_loop3A_171 {add = true} : memref<40064xf32, #tpu.memory_space<vmem>>[vector<16xi32>], vector<16xf32>,
          %parallel_loop3A_172 = arith.constant 25040 : i32
          %parallel_loop3A_173 = vector.broadcast %parallel_loop3A_172 : i32 to vector<16xi32>
          %parallel_loop3A_174 = arith.addi %parallel_loop3A_119, %parallel_loop3A_173 : vector<16xi32>
          %parallel_loop3A_175 = tpu.vector_load_idx %arg7[%parallel_loop3A_174] : memref<40064xf32, #tpu.memory_space<vmem>>[vector<16xi32>], vector<16xf32>,
          %parallel_loop3A_176 = arith.constant 25040 : i32
          %parallel_loop3A_177 = vector.broadcast %parallel_loop3A_176 : i32 to vector<16xi32>
          %parallel_loop3A_178 = arith.addi %parallel_loop3A_115, %parallel_loop3A_177 : vector<16xi32>
          %parallel_loop3A_179 = arith.mulf %parallel_loop3A_131, %parallel_loop3A_175 : vector<16xf32>
          tpu.vector_store_idx %arg8[%parallel_loop3A_178], %parallel_loop3A_179 {add = true} : memref<40064xf32, #tpu.memory_space<vmem>>[vector<16xi32>], vector<16xf32>,
          %parallel_loop3A_180 = arith.constant 30048 : i32
          %parallel_loop3A_181 = vector.broadcast %parallel_loop3A_180 : i32 to vector<16xi32>
          %parallel_loop3A_182 = arith.addi %parallel_loop3A_119, %parallel_loop3A_181 : vector<16xi32>
          %parallel_loop3A_183 = tpu.vector_load_idx %arg7[%parallel_loop3A_182] : memref<40064xf32, #tpu.memory_space<vmem>>[vector<16xi32>], vector<16xf32>,
          %parallel_loop3A_184 = arith.constant 30048 : i32
          %parallel_loop3A_185 = vector.broadcast %parallel_loop3A_184 : i32 to vector<16xi32>
          %parallel_loop3A_186 = arith.addi %parallel_loop3A_115, %parallel_loop3A_185 : vector<16xi32>
          %parallel_loop3A_187 = arith.mulf %parallel_loop3A_131, %parallel_loop3A_183 : vector<16xf32>
          tpu.vector_store_idx %arg8[%parallel_loop3A_186], %parallel_loop3A_187 {add = true} : memref<40064xf32, #tpu.memory_space<vmem>>[vector<16xi32>], vector<16xf32>,
          %parallel_loop3A_188 = arith.constant 35056 : i32
          %parallel_loop3A_189 = vector.broadcast %parallel_loop3A_188 : i32 to vector<16xi32>
          %parallel_loop3A_190 = arith.addi %parallel_loop3A_119, %parallel_loop3A_189 : vector<16xi32>
          %parallel_loop3A_191 = tpu.vector_load_idx %arg7[%parallel_loop3A_190] : memref<40064xf32, #tpu.memory_space<vmem>>[vector<16xi32>], vector<16xf32>,
          %parallel_loop3A_192 = arith.constant 35056 : i32
          %parallel_loop3A_193 = vector.broadcast %parallel_loop3A_192 : i32 to vector<16xi32>
          %parallel_loop3A_194 = arith.addi %parallel_loop3A_115, %parallel_loop3A_193 : vector<16xi32>
          %parallel_loop3A_195 = arith.mulf %parallel_loop3A_131, %parallel_loop3A_191 : vector<16xf32>
          tpu.vector_store_idx %arg8[%parallel_loop3A_194], %parallel_loop3A_195 {add = true} : memref<40064xf32, #tpu.memory_space<vmem>>[vector<16xi32>], vector<16xf32>,
        } {sc.loop_unroll_factor = 4 : i64, sc.parallel_access}
        %add3A_104 = arith.constant 2 : i32
        %add3A_105 = arith.addi %add3A_92, %add3A_104 : i32
        %lt3A_106 = arith.constant 10 : i32
        %lt3A_107 = arith.cmpi slt, %add3A_105, %lt3A_106 : i32
        %convert_element_type3A_108 = arith.extui %lt3A_107 : i1 to i32
        %cond3A_109 = arith.constant 0 : i32
        %cond3A_110 = arith.cmpi ne, %convert_element_type3A_108, %cond3A_109 : i32
        scf.if %cond3A_110 {
          %add3A_111 = arith.constant 2 : i32
          %add3A_112 = arith.addi %add3A_92, %add3A_111 : i32
          %mul3A_113 = arith.constant 8000 : i32
          %mul3A_114 = arith.muli %add3A_112, %mul3A_113 : i32
          %multiple_of3A_115 = tpu.assume_multiple %mul3A_114, 8 : i32
          %dma_start3A_116 = tpu.memref_slice %arg4[%multiple_of3A_115] : memref<80000xi32, #tpu.memory_space<hbm>> -> memref<8000xi32, #tpu.memory_space<hbm>>
          %dma_start3A_117 = tpu.memref_slice %arg4[%multiple_of3A_115] : memref<80000xi32, #tpu.memory_space<hbm>> -> memref<8000xi32, #tpu.memory_space<hbm>>
          tpu.enqueue_dma source(%dma_start3A_117 : memref<8000xi32, #tpu.memory_space<hbm>>) target(%arg14 : memref<8000xi32, #tpu.memory_space<vmem>>) target_semaphore(%arg21 : memref<!tpu.dma_semaphore, #tpu.memory_space<semaphore_mem>>)
          %dma_start3A_118 = tpu.memref_slice %arg5[%multiple_of3A_115] : memref<80000xi32, #tpu.memory_space<hbm>> -> memref<8000xi32, #tpu.memory_space<hbm>>
          %dma_start3A_119 = tpu.memref_slice %arg5[%multiple_of3A_115] : memref<80000xi32, #tpu.memory_space<hbm>> -> memref<8000xi32, #tpu.memory_space<hbm>>
          tpu.enqueue_dma source(%dma_start3A_119 : memref<8000xi32, #tpu.memory_space<hbm>>) target(%arg15 : memref<8000xi32, #tpu.memory_space<vmem>>) target_semaphore(%arg22 : memref<!tpu.dma_semaphore, #tpu.memory_space<semaphore_mem>>)
        } else {
        }
      }
      %scan3A_63 = arith.constant 5 : i32
      %parallel_loop3A_64 = arith.constant 0 : i32
      %parallel_loop3A_65 = arith.constant 313 : i32
      %parallel_loop3A_66 = arith.constant 1 : i32
      scf.for %parallel_loop3A_67 = %parallel_loop3A_64 to %parallel_loop3A_65 step %parallel_loop3A_66  : i32 {
        %parallel_loop3A_68 = arith.constant 16 : i32
        %parallel_loop3A_69 = arith.muli %parallel_loop3A_67, %parallel_loop3A_68 : i32
        %parallel_loop3A_70 = arith.index_cast %parallel_loop3A_69 : i32 to index
        %parallel_loop3A_71 = tpu.vector_load %arg11[%parallel_loop3A_70] {strides = array<i32>} : memref<5008xf32, #tpu.memory_space<vmem>>, vector<16xf32>,
        %parallel_loop3A_72 = arith.constant 9.000000e-15 : f32
        %parallel_loop3A_73 = vector.broadcast %parallel_loop3A_72 : f32 to vector<16xf32>
        %parallel_loop3A_74 = arith.addf %parallel_loop3A_71, %parallel_loop3A_73 : vector<16xf32>
        %parallel_loop3A_75 = arith.constant 1.000000e+00 : f32
        %parallel_loop3A_76 = vector.broadcast %parallel_loop3A_75 : f32 to vector<16xf32>
        %parallel_loop3A_77 = arith.divf %parallel_loop3A_76, %parallel_loop3A_74 : vector<16xf32>
        %parallel_loop3A_78 = arith.constant 16 : i32
        %parallel_loop3A_79 = arith.muli %parallel_loop3A_67, %parallel_loop3A_78 : i32
        %parallel_loop3A_80 = arith.constant 0 : i32
        %parallel_loop3A_81 = arith.addi %parallel_loop3A_80, %parallel_loop3A_79 : i32
        %parallel_loop3A_82 = tpu.assume_multiple %parallel_loop3A_81, 8 : i32
        %parallel_loop3A_83 = arith.index_cast %parallel_loop3A_82 : i32 to index
        %parallel_loop3A_84 = tpu.vector_load %arg8[%parallel_loop3A_83] {strides = array<i32>} : memref<40064xf32, #tpu.memory_space<vmem>>, vector<16xf32>,
        %parallel_loop3A_85 = arith.mulf %parallel_loop3A_84, %parallel_loop3A_77 : vector<16xf32>
        %parallel_loop3A_86 = arith.index_cast %parallel_loop3A_82 : i32 to index
        %parallel_loop3A_87 = tpu.vector_load %arg8[%parallel_loop3A_86] {strides = array<i32>} : memref<40064xf32, #tpu.memory_space<vmem>>, vector<16xf32>,
        tpu.vector_store %arg8[%parallel_loop3A_86], %parallel_loop3A_85 {strides = array<i32>} : memref<40064xf32, #tpu.memory_space<vmem>>, vector<16xf32>,
        %parallel_loop3A_88 = arith.constant 16 : i32
        %parallel_loop3A_89 = arith.muli %parallel_loop3A_67, %parallel_loop3A_88 : i32
        %parallel_loop3A_90 = arith.constant 5008 : i32
        %parallel_loop3A_91 = arith.addi %parallel_loop3A_90, %parallel_loop3A_89 : i32
        %parallel_loop3A_92 = tpu.assume_multiple %parallel_loop3A_91, 8 : i32
        %parallel_loop3A_93 = arith.index_cast %parallel_loop3A_92 : i32 to index
        %parallel_loop3A_94 = tpu.vector_load %arg8[%parallel_loop3A_93] {strides = array<i32>} : memref<40064xf32, #tpu.memory_space<vmem>>, vector<16xf32>,
        %parallel_loop3A_95 = arith.mulf %parallel_loop3A_94, %parallel_loop3A_77 : vector<16xf32>
        %parallel_loop3A_96 = arith.index_cast %parallel_loop3A_92 : i32 to index
        %parallel_loop3A_97 = tpu.vector_load %arg8[%parallel_loop3A_96] {strides = array<i32>} : memref<40064xf32, #tpu.memory_space<vmem>>, vector<16xf32>,
        tpu.vector_store %arg8[%parallel_loop3A_96], %parallel_loop3A_95 {strides = array<i32>} : memref<40064xf32, #tpu.memory_space<vmem>>, vector<16xf32>,
        %parallel_loop3A_98 = arith.constant 16 : i32
        %parallel_loop3A_99 = arith.muli %parallel_loop3A_67, %parallel_loop3A_98 : i32
        %parallel_loop3A_100 = arith.constant 10016 : i32
        %parallel_loop3A_101 = arith.addi %parallel_loop3A_100, %parallel_loop3A_99 : i32
        %parallel_loop3A_102 = tpu.assume_multiple %parallel_loop3A_101, 8 : i32
        %parallel_loop3A_103 = arith.index_cast %parallel_loop3A_102 : i32 to index
        %parallel_loop3A_104 = tpu.vector_load %arg8[%parallel_loop3A_103] {strides = array<i32>} : memref<40064xf32, #tpu.memory_space<vmem>>, vector<16xf32>,
        %parallel_loop3A_105 = arith.mulf %parallel_loop3A_104, %parallel_loop3A_77 : vector<16xf32>
        %parallel_loop3A_106 = arith.index_cast %parallel_loop3A_102 : i32 to index
        %parallel_loop3A_107 = tpu.vector_load %arg8[%parallel_loop3A_106] {strides = array<i32>} : memref<40064xf32, #tpu.memory_space<vmem>>, vector<16xf32>,
        tpu.vector_store %arg8[%parallel_loop3A_106], %parallel_loop3A_105 {strides = array<i32>} : memref<40064xf32, #tpu.memory_space<vmem>>, vector<16xf32>,
        %parallel_loop3A_108 = arith.constant 16 : i32
        %parallel_loop3A_109 = arith.muli %parallel_loop3A_67, %parallel_loop3A_108 : i32
        %parallel_loop3A_110 = arith.constant 15024 : i32
        %parallel_loop3A_111 = arith.addi %parallel_loop3A_110, %parallel_loop3A_109 : i32
        %parallel_loop3A_112 = tpu.assume_multiple %parallel_loop3A_111, 8 : i32
        %parallel_loop3A_113 = arith.index_cast %parallel_loop3A_112 : i32 to index
        %parallel_loop3A_114 = tpu.vector_load %arg8[%parallel_loop3A_113] {strides = array<i32>} : memref<40064xf32, #tpu.memory_space<vmem>>, vector<16xf32>,
        %parallel_loop3A_115 = arith.mulf %parallel_loop3A_114, %parallel_loop3A_77 : vector<16xf32>
        %parallel_loop3A_116 = arith.index_cast %parallel_loop3A_112 : i32 to index
        %parallel_loop3A_117 = tpu.vector_load %arg8[%parallel_loop3A_116] {strides = array<i32>} : memref<40064xf32, #tpu.memory_space<vmem>>, vector<16xf32>,
        tpu.vector_store %arg8[%parallel_loop3A_116], %parallel_loop3A_115 {strides = array<i32>} : memref<40064xf32, #tpu.memory_space<vmem>>, vector<16xf32>,
        %parallel_loop3A_118 = arith.constant 16 : i32
        %parallel_loop3A_119 = arith.muli %parallel_loop3A_67, %parallel_loop3A_118 : i32
        %parallel_loop3A_120 = arith.constant 20032 : i32
        %parallel_loop3A_121 = arith.addi %parallel_loop3A_120, %parallel_loop3A_119 : i32
        %parallel_loop3A_122 = tpu.assume_multiple %parallel_loop3A_121, 8 : i32
        %parallel_loop3A_123 = arith.index_cast %parallel_loop3A_122 : i32 to index
        %parallel_loop3A_124 = tpu.vector_load %arg8[%parallel_loop3A_123] {strides = array<i32>} : memref<40064xf32, #tpu.memory_space<vmem>>, vector<16xf32>,
        %parallel_loop3A_125 = arith.mulf %parallel_loop3A_124, %parallel_loop3A_77 : vector<16xf32>
        %parallel_loop3A_126 = arith.index_cast %parallel_loop3A_122 : i32 to index
        %parallel_loop3A_127 = tpu.vector_load %arg8[%parallel_loop3A_126] {strides = array<i32>} : memref<40064xf32, #tpu.memory_space<vmem>>, vector<16xf32>,
        tpu.vector_store %arg8[%parallel_loop3A_126], %parallel_loop3A_125 {strides = array<i32>} : memref<40064xf32, #tpu.memory_space<vmem>>, vector<16xf32>,
        %parallel_loop3A_128 = arith.constant 16 : i32
        %parallel_loop3A_129 = arith.muli %parallel_loop3A_67, %parallel_loop3A_128 : i32
        %parallel_loop3A_130 = arith.constant 25040 : i32
        %parallel_loop3A_131 = arith.addi %parallel_loop3A_130, %parallel_loop3A_129 : i32
        %parallel_loop3A_132 = tpu.assume_multiple %parallel_loop3A_131, 8 : i32
        %parallel_loop3A_133 = arith.index_cast %parallel_loop3A_132 : i32 to index
        %parallel_loop3A_134 = tpu.vector_load %arg8[%parallel_loop3A_133] {strides = array<i32>} : memref<40064xf32, #tpu.memory_space<vmem>>, vector<16xf32>,
        %parallel_loop3A_135 = arith.mulf %parallel_loop3A_134, %parallel_loop3A_77 : vector<16xf32>
        %parallel_loop3A_136 = arith.index_cast %parallel_loop3A_132 : i32 to index
        %parallel_loop3A_137 = tpu.vector_load %arg8[%parallel_loop3A_136] {strides = array<i32>} : memref<40064xf32, #tpu.memory_space<vmem>>, vector<16xf32>,
        tpu.vector_store %arg8[%parallel_loop3A_136], %parallel_loop3A_135 {strides = array<i32>} : memref<40064xf32, #tpu.memory_space<vmem>>, vector<16xf32>,
        %parallel_loop3A_138 = arith.constant 16 : i32
        %parallel_loop3A_139 = arith.muli %parallel_loop3A_67, %parallel_loop3A_138 : i32
        %parallel_loop3A_140 = arith.constant 30048 : i32
        %parallel_loop3A_141 = arith.addi %parallel_loop3A_140, %parallel_loop3A_139 : i32
        %parallel_loop3A_142 = tpu.assume_multiple %parallel_loop3A_141, 8 : i32
        %parallel_loop3A_143 = arith.index_cast %parallel_loop3A_142 : i32 to index
        %parallel_loop3A_144 = tpu.vector_load %arg8[%parallel_loop3A_143] {strides = array<i32>} : memref<40064xf32, #tpu.memory_space<vmem>>, vector<16xf32>,
        %parallel_loop3A_145 = arith.mulf %parallel_loop3A_144, %parallel_loop3A_77 : vector<16xf32>
        %parallel_loop3A_146 = arith.index_cast %parallel_loop3A_142 : i32 to index
        %parallel_loop3A_147 = tpu.vector_load %arg8[%parallel_loop3A_146] {strides = array<i32>} : memref<40064xf32, #tpu.memory_space<vmem>>, vector<16xf32>,
        tpu.vector_store %arg8[%parallel_loop3A_146], %parallel_loop3A_145 {strides = array<i32>} : memref<40064xf32, #tpu.memory_space<vmem>>, vector<16xf32>,
        %parallel_loop3A_148 = arith.constant 16 : i32
        %parallel_loop3A_149 = arith.muli %parallel_loop3A_67, %parallel_loop3A_148 : i32
        %parallel_loop3A_150 = arith.constant 35056 : i32
        %parallel_loop3A_151 = arith.addi %parallel_loop3A_150, %parallel_loop3A_149 : i32
        %parallel_loop3A_152 = tpu.assume_multiple %parallel_loop3A_151, 8 : i32
        %parallel_loop3A_153 = arith.index_cast %parallel_loop3A_152 : i32 to index
        %parallel_loop3A_154 = tpu.vector_load %arg8[%parallel_loop3A_153] {strides = array<i32>} : memref<40064xf32, #tpu.memory_space<vmem>>, vector<16xf32>,
        %parallel_loop3A_155 = arith.mulf %parallel_loop3A_154, %parallel_loop3A_77 : vector<16xf32>
        %parallel_loop3A_156 = arith.index_cast %parallel_loop3A_152 : i32 to index
        %parallel_loop3A_157 = tpu.vector_load %arg8[%parallel_loop3A_156] {strides = array<i32>} : memref<40064xf32, #tpu.memory_space<vmem>>, vector<16xf32>,
        tpu.vector_store %arg8[%parallel_loop3A_156], %parallel_loop3A_155 {strides = array<i32>} : memref<40064xf32, #tpu.memory_space<vmem>>, vector<16xf32>,
      } {sc.loop_unroll_factor = 1 : i64, sc.parallel_access}
      "tpu.region"() ({
        %run_scoped3A = tpu.sem_alloc : memref<!tpu.dma_semaphore, #tpu.memory_space<semaphore_mem>>
        %dma_start3A_67 = arith.constant 0 : i32
        %dma_start3A_68 = tpu.memref_slice %arg6[%arg1, %arg0, %dma_start3A_67] : memref<12x2x40064xf32, #tpu.memory_space<hbm>> -> memref<1x1x40064xf32, #tpu.memory_space<hbm>>
        %dma_start3A_69 = tpu.memref_squeeze %dma_start3A_68 : memref<1x1x40064xf32, #tpu.memory_space<hbm>> -> memref<40064xf32, #tpu.memory_space<hbm>>
        %dma_start3A_70 = arith.constant 0 : i32
        %dma_start3A_71 = tpu.memref_slice %arg6[%arg1, %arg0, %dma_start3A_70] : memref<12x2x40064xf32, #tpu.memory_space<hbm>> -> memref<1x1x40064xf32, #tpu.memory_space<hbm>>
        %dma_start3A_72 = tpu.memref_squeeze %dma_start3A_71 : memref<1x1x40064xf32, #tpu.memory_space<hbm>> -> memref<40064xf32, #tpu.memory_space<hbm>>
        tpu.enqueue_dma source(%arg8 : memref<40064xf32, #tpu.memory_space<vmem>>) target(%dma_start3A_72 : memref<40064xf32, #tpu.memory_space<hbm>>) target_semaphore(%run_scoped3A : memref<!tpu.dma_semaphore, #tpu.memory_space<semaphore_mem>>)
        %dma_wait3A_73 = arith.constant 0 : i32
        %dma_wait3A_74 = tpu.memref_slice %arg6[%arg1, %arg0, %dma_wait3A_73] : memref<12x2x40064xf32, #tpu.memory_space<hbm>> -> memref<1x1x40064xf32, #tpu.memory_space<hbm>>
        %dma_wait3A_75 = tpu.memref_squeeze %dma_wait3A_74 : memref<1x1x40064xf32, #tpu.memory_space<hbm>> -> memref<40064xf32, #tpu.memory_space<hbm>>
        %dma_wait3A_76 = arith.constant 0 : i32
        %dma_wait3A_77 = tpu.memref_slice %arg6[%arg1, %arg0, %dma_wait3A_76] : memref<12x2x40064xf32, #tpu.memory_space<hbm>> -> memref<1x1x40064xf32, #tpu.memory_space<hbm>>
        %dma_wait3A_78 = tpu.memref_squeeze %dma_wait3A_77 : memref<1x1x40064xf32, #tpu.memory_space<hbm>> -> memref<40064xf32, #tpu.memory_space<hbm>>
        tpu.wait_dma2 semaphore(%run_scoped3A : memref<!tpu.dma_semaphore, #tpu.memory_space<semaphore_mem>>) src(%arg8 : memref<40064xf32, #tpu.memory_space<vmem>>) dst(%dma_wait3A_78 : memref<40064xf32, #tpu.memory_space<hbm>>)
        tpu.yield
      }) : () -> ()
    } else {
    }
    return
  }
}

module attributes {stable_mosaic.version = 14 : i64} {
  func.func @_tc_body(%arg0: i32, %arg1: memref<1x5000x128xf32, #tpu.memory_space<vmem>>, %arg2: memref<1x43xf32, #tpu.memory_space<vmem>>, %arg3: memref<16x128xf32, #tpu.memory_space<vmem>>, %arg4: memref<16x1xf32, #tpu.memory_space<vmem>>, %arg5: memref<8x43xf32, #tpu.memory_space<vmem>>, %arg6: memref<8x32xf32, #tpu.memory_space<vmem>>, %arg7: memref<1x16x5008xf32, #tpu.memory_space<vmem>>, %arg8: memref<1x2x5008xf32, #tpu.memory_space<vmem>>) attributes {dimension_semantics = [#tpu.dimension_semantics<arbitrary>], iteration_bounds = array<i64: 12>, scalar_prefetch = 0 : i64, scratch_operands = 0 : i64, tpu.core_type = #tpu.core_type<tc>, window_params = [{transform_indices = @transform_0, window_bounds = array<i64: 1, 5000, 128>}, {pipeline_mode = #tpu.pipeline_mode<synchronous>, transform_indices = @transform_1, window_bounds = array<i64: 1, 43>}, {pipeline_mode = #tpu.pipeline_mode<synchronous>, transform_indices = @transform_2, window_bounds = array<i64: 16, 128>}, {pipeline_mode = #tpu.pipeline_mode<synchronous>, transform_indices = @transform_3, window_bounds = array<i64: 16, 1>}, {pipeline_mode = #tpu.pipeline_mode<synchronous>, transform_indices = @transform_4, window_bounds = array<i64: 8, 43>}, {pipeline_mode = #tpu.pipeline_mode<synchronous>, transform_indices = @transform_5, window_bounds = array<i64: 8, 32>}, {transform_indices = @transform_6, window_bounds = array<i64: 1, 16, 5008>}, {transform_indices = @transform_7, window_bounds = array<i64: 1, 2, 5008>}]} {
    %get3A = arith.constant 0 : index
    %get3A_0 = arith.constant 0 : index
    %get3A_1 = arith.constant 0 : index
    %get3A_2 = vector.load %arg1[%get3A, %get3A_0, %get3A_1] : memref<1x5000x128xf32, #tpu.memory_space<vmem>>, vector<1x5000x128xf32>
    %get3A_3 = vector.shape_cast %get3A_2 : vector<1x5000x128xf32> to vector<5000x128xf32>
    %get3A_4 = arith.constant 0 : index
    %get3A_5 = arith.constant 0 : index
    %get3A_6 = vector.load %arg3[%get3A_4, %get3A_5] : memref<16x128xf32, #tpu.memory_space<vmem>>, vector<16x128xf32>
    %dot_general3A = arith.constant dense<0.000000e+00> : vector<16x5000xf32>
    %dot_general3A_7 = tpu.matmul %get3A_6, %get3A_3, %dot_general3A {dimension_numbers = #tpu.dot_dimension_numbers<[1], [1], [0], [0], [0, 0, 1, 0], [], []>, transpose_lhs_hint = false} : vector<16x128xf32>, vector<5000x128xf32>, vector<16x5000xf32> -> vector<16x5000xf32>
    %get3A_8 = arith.constant 0 : index
    %get3A_9 = arith.constant 0 : index
    %get3A_10 = vector.load %arg4[%get3A_8, %get3A_9] : memref<16x1xf32, #tpu.memory_space<vmem>>, vector<16x1xf32>
    %add3A = vector.broadcast %get3A_10 : vector<16x1xf32> to vector<16x5000xf32>
    %add3A_11 = arith.addf %dot_general3A_7, %add3A : vector<16x5000xf32>
    %broadcast_in_dim3A = arith.constant 0.000000e+00 : f32
    %broadcast_in_dim3A_12 = vector.broadcast %broadcast_in_dim3A : f32 to vector<16x8xf32>
    %concatenate3A = tpu.concatenate %add3A_11, %broadcast_in_dim3A_12 in 1 : vector<16x5000xf32>, vector<16x8xf32> -> vector<16x5008xf32>
    %swap3A = arith.constant 0 : index
    %swap3A_13 = arith.constant 0 : index
    %swap3A_14 = arith.constant 0 : index
    %swap3A_15 = vector.load %arg7[%swap3A, %swap3A_13, %swap3A_14] : memref<1x16x5008xf32, #tpu.memory_space<vmem>>, vector<1x16x5008xf32>
    %swap3A_16 = vector.shape_cast %swap3A_15 : vector<1x16x5008xf32> to vector<16x5008xf32>
    %swap3A_17 = vector.shape_cast %concatenate3A : vector<16x5008xf32> to vector<1x16x5008xf32>
    tpu.vector_store %arg7[%swap3A, %swap3A_13, %swap3A_14], %swap3A_17 {strides = array<i32>} : memref<1x16x5008xf32, #tpu.memory_space<vmem>>, vector<1x16x5008xf32>,
    %get3A_18 = arith.constant 0 : index
    %get3A_19 = arith.constant 0 : index
    %get3A_20 = vector.load %arg2[%get3A_18, %get3A_19] : memref<1x43xf32, #tpu.memory_space<vmem>>, vector<1x43xf32>
    %get3A_21 = arith.constant 0 : index
    %get3A_22 = arith.constant 0 : index
    %get3A_23 = vector.load %arg5[%get3A_21, %get3A_22] : memref<8x43xf32, #tpu.memory_space<vmem>>, vector<8x43xf32>
    %dot_general3A_24 = arith.constant dense<0.000000e+00> : vector<1x8xf32>
    %dot_general3A_25 = tpu.matmul %get3A_20, %get3A_23, %dot_general3A_24 {dimension_numbers = #tpu.dot_dimension_numbers<[1], [1], [0], [0], [0, 0, 1, 0], [], []>, transpose_lhs_hint = false} : vector<1x43xf32>, vector<8x43xf32>, vector<1x8xf32> -> vector<1x8xf32>
    %get3A_26 = arith.constant 0 : index
    %get3A_27 = arith.constant 0 : index
    %get3A_28 = vector.load %arg6[%get3A_26, %get3A_27] : memref<8x32xf32, #tpu.memory_space<vmem>>, vector<8x32xf32>
    %dot_general3A_29 = arith.constant dense<0.000000e+00> : vector<1x32xf32>
    %dot_general3A_30 = tpu.matmul %dot_general3A_25, %get3A_28, %dot_general3A_29 {dimension_numbers = #tpu.dot_dimension_numbers<[1], [0], [0], [1], [0, 0, 1, 1], [], []>, transpose_lhs_hint = false} : vector<1x8xf32>, vector<8x32xf32>, vector<1x32xf32> -> vector<1x32xf32>
    %slice3A = vector.extract_strided_slice %dot_general3A_30 {offsets = [0, 0], sizes = [1, 16], strides = [1, 1]} : vector<1x32xf32> to vector<1x16xf32>
    %slice3A_31 = vector.extract_strided_slice %dot_general3A_30 {offsets = [0, 16], sizes = [1, 16], strides = [1, 1]} : vector<1x32xf32> to vector<1x16xf32>
    %concatenate3A_32 = tpu.concatenate %slice3A, %slice3A_31 in 0 : vector<1x16xf32>, vector<1x16xf32> -> vector<2x16xf32>
    %dot_general3A_33 = arith.constant dense<0.000000e+00> : vector<2x5000xf32>
    %dot_general3A_34 = tpu.matmul %concatenate3A_32, %add3A_11, %dot_general3A_33 {dimension_numbers = #tpu.dot_dimension_numbers<[1], [0], [0], [1], [0, 0, 1, 1], [], []>, transpose_lhs_hint = false} : vector<2x16xf32>, vector<16x5000xf32>, vector<2x5000xf32> -> vector<2x5000xf32>
    %reduce_max3A = arith.constant dense<0xFF800000> : vector<2xf32>
    %reduce_max3A_35 = vector.multi_reduction <maximumf>, %dot_general3A_34, %reduce_max3A [1] : vector<2x5000xf32> to vector<2xf32>
    %broadcast_in_dim3A_36 = vector.shape_cast %reduce_max3A_35 : vector<2xf32> to vector<2x1xf32>
    %broadcast_in_dim3A_37 = vector.shape_cast %broadcast_in_dim3A_36 : vector<2x1xf32> to vector<2x1xf32>
    %broadcast_in_dim3A_38 = vector.broadcast %broadcast_in_dim3A_37 : vector<2x1xf32> to vector<2x8xf32>
    %concatenate3A_39 = tpu.concatenate %dot_general3A_34, %broadcast_in_dim3A_38 in 1 : vector<2x5000xf32>, vector<2x8xf32> -> vector<2x5008xf32>
    %swap3A_40 = arith.constant 0 : index
    %swap3A_41 = arith.constant 0 : index
    %swap3A_42 = arith.constant 0 : index
    %swap3A_43 = vector.load %arg8[%swap3A_40, %swap3A_41, %swap3A_42] : memref<1x2x5008xf32, #tpu.memory_space<vmem>>, vector<1x2x5008xf32>
    %swap3A_44 = vector.shape_cast %swap3A_43 : vector<1x2x5008xf32> to vector<2x5008xf32>
    %swap3A_45 = vector.shape_cast %concatenate3A_39 : vector<2x5008xf32> to vector<1x2x5008xf32>
    tpu.vector_store %arg8[%swap3A_40, %swap3A_41, %swap3A_42], %swap3A_45 {strides = array<i32>} : memref<1x2x5008xf32, #tpu.memory_space<vmem>>, vector<1x2x5008xf32>,
    return
  }
  func.func @transform_0(%arg0: i32) -> (i32, i32, i32) {
    %c0_i32 = arith.constant 0 : i32
    %c0_i32_0 = arith.constant 0 : i32
    %c0_i32_1 = arith.constant 0 : i32
    return %arg0, %c0_i32, %c0_i32_0 : i32, i32, i32
  }
  func.func @transform_1(%arg0: i32) -> (i32, i32) {
    %c0_i32 = arith.constant 0 : i32
    %c0_i32_0 = arith.constant 0 : i32
    %c0_i32_1 = arith.constant 0 : i32
    return %c0_i32, %c0_i32_0 : i32, i32
  }
  func.func @transform_2(%arg0: i32) -> (i32, i32) {
    %c0_i32 = arith.constant 0 : i32
    %c0_i32_0 = arith.constant 0 : i32
    %c0_i32_1 = arith.constant 0 : i32
    return %c0_i32, %c0_i32_0 : i32, i32
  }
  func.func @transform_3(%arg0: i32) -> (i32, i32) {
    %c0_i32 = arith.constant 0 : i32
    %c0_i32_0 = arith.constant 0 : i32
    %c0_i32_1 = arith.constant 0 : i32
    return %c0_i32, %c0_i32_0 : i32, i32
  }
  func.func @transform_4(%arg0: i32) -> (i32, i32) {
    %c0_i32 = arith.constant 0 : i32
    %c0_i32_0 = arith.constant 0 : i32
    %c0_i32_1 = arith.constant 0 : i32
    return %c0_i32, %c0_i32_0 : i32, i32
  }
  func.func @transform_5(%arg0: i32) -> (i32, i32) {
    %c0_i32 = arith.constant 0 : i32
    %c0_i32_0 = arith.constant 0 : i32
    %c0_i32_1 = arith.constant 0 : i32
    return %c0_i32, %c0_i32_0 : i32, i32
  }
  func.func @transform_6(%arg0: i32) -> (i32, i32, i32) {
    %c0_i32 = arith.constant 0 : i32
    %c0_i32_0 = arith.constant 0 : i32
    %c0_i32_1 = arith.constant 0 : i32
    return %arg0, %c0_i32, %c0_i32_0 : i32, i32, i32
  }
  func.func @transform_7(%arg0: i32) -> (i32, i32, i32) {
    %c0_i32 = arith.constant 0 : i32
    %c0_i32_0 = arith.constant 0 : i32
    %c0_i32_1 = arith.constant 0 : i32
    return %arg0, %c0_i32, %c0_i32_0 : i32, i32, i32
  }
}

</mosaic_0001>

<sc_bundles>
// kernel: kernel.4.cloned.1.call-start
scs
__scs_entry_jumppad:
0x0: {  	(pc) =	sbr.rel $0x88, $3  }
0x1: {  	(tag) =	ssettag $0x0;
	lr =	simm.s32 $0x1  }
0x2: {  	[smem:$0x3F9A] =	sst lr;
	_ =	strace $0xD0000000  }
0x3: {  	_ = 	snop  }
0x4: {  	_ = 	snop  }
0x5: {  	_ = 	snop  }
0x6: {  	_ = 	snop  }
0x7: {  	_ = 	snop  }
__scs_overlays_trampoline_lowered:
0x8: {  	[smem:$0x3FA9] =	sst s0  }
0x9: {  	[smem:$0x3FAA] =	sst s1  }
0xa: {  	[smem:$0x3FAB] =	sst s2  }
0xb: {  	[smem:$0x3FAC] =	sst s3  }
0xc: {  	[smem:$0x3FAD] =	sst s4  }
0xd: {  	[smem:$0x3FAE] =	sst s5  }
0xe: {  	[smem:$0x3FAF] =	sst s6  }
0xf: {  	[smem:$0x3FB0] =	sst s7  }
0x10: {  	[smem:$0x3FB1] =	sst s8  }
0x11: {  	[smem:$0x3FB2] =	sst s9;
	s0 =	simm.s32 @!p0 $0x0  }
0x12: {  	s1 =	sld [smem:$0x3F98];
	s0 =	simm.s32 @p0 $0x1  }
0x13: {  	[smem:$0x3FB3] =	sst s0;
	s0 =	simm.s32 @!p1 $0x0  }
0x14: {  	s2 =	sld [smem:$0x3F97];
	s0 =	simm.s32 @p1 $0x1  }
0x15: {  	[smem:$0x3FB4] =	sst s0;
	s0 =	simm.s32 @!p2 $0x0  }
0x16: {  	s3 =	sld [smem:$0x3FDB];
	s0 =	simm.s32 @p2 $0x1  }
0x17: {  	s4 =	simm.s32 $0x1BF5;
	[smem:$0x3FB6] =	sst s0  }
0x18: {  	s0 =	sld [smem:$0x3F99];
	_ =	swait.ge [sflag:s4], $0x0  }
0x19: {  	s7 =	sld [smem:$0x3F9A]  }
0x1a: {  	s8 =	sadd.s32 $0xFFFFE003, lr  }
0x1b: {  	s9 =	sadd.s32 $0xFFFFFEF7, lr;
	s5 =	simm.s32 $0xFFFFFFFF;
	p2 =	slt.u32 s8, $0xFFFFF086  }
0x1c: {  	p1 =	slt.u32 s9, $0xF7A;
	s5 =	simm.s32 @!p2 $0x0  }
0x1d: {  	s5 =	simm.s32 @p1 $0x1;
	p0 =	seq.s32 s7, s2  }
0x1e: {  	s7 =	smul.u32 @!p0 $0xF7A, s2;
	p2 =	seq.s32 @!p0 s5, $0x0  }
0x1f: {  	s9 =	smul.u32 $0xF7A, s1;
	s8 =	simm.s32 @!p0 $0x1BF5;
	p2 =	por !p2, p0  }
0x20: {  	[sflag:s8] =	ssyncset.s32 @!p0 $0xFFFFF086;
	s6 =	sadd.s32 @!p0 s3, s7;
	s7 =	simm.s32 @!p0 $0x108  }
0x21: {  	s3 =	sadd.s32 s3, s9;
	s6 =	sadd.s32 @!p0 $0x88, s6;
	s7 =	simm.s32 @p2 $0x1082  }
0x22: {  	[simem:s7], [sflag:s8] =	dma.local @!p0 [hbm:s6], $0xF7A  }
0x23: {  	s9 =	sor.u32 $0xD0000000, s2;
	s6 =	simm.s32 $0x108;
	_ =	swait.ge @!p0 [sflag:s8], $0x0  }
0x24: {  	s3 =	sadd.s32 $0x88, s3;
	s6 =	simm.s32 @!p1 $0x1082;
	[sflag:s4] =	ssyncset.s32 $0xFFFFF086  }
0x25: {  	[simem:s6], [sflag:s4] =	dma.local [hbm:s3], $0xF7A  }
0x26: {  	[smem:$0x3F9A] =	sst s1;
	(tag) =	ssettag s2;
	_ =	strace s9  }
0x27: {  	s1 =	sld [smem:$0x3FAA]  }
0x28: {  	s2 =	sld [smem:$0x3FAB]  }
0x29: {  	s4 =	sld [smem:$0x3FAD]  }
0x2a: {  	p0 =	seq.s32 s5, $0x0;
	s5 =	sld [smem:$0x3FAE]  }
0x2b: {  	s6 =	sld [smem:$0x3FAF]  }
0x2c: {  	s7 =	sld [smem:$0x3FB0]  }
0x2d: {  	s3 =	simm.s32 $0x108;
	s8 =	sld [smem:$0x3FB1]  }
0x2e: {  	s3 =	simm.s32 @!p0 $0x1082;
	s9 =	sld [smem:$0x3FB2]  }
0x2f: {  	lr =	sadd.s32 s0, s3;
	s0 =	sld [smem:$0x3FA9]  }
0x30: {  	s3 =	sld [smem:$0x3FAC]  }
0x31: {  	[smem:$0x3FB5] =	sst s10  }
0x32: {  	s10 =	sld [smem:$0x3FB3];
	_ =	sdelay $0x3  }
0x33: {  	p0 =	seq.s32 s10, $0x1;
	s10 =	sld [smem:$0x3FB5];
	_ =	sdelay $0x3  }
0x34: {  	[smem:$0x3FB5] =	sst s10  }
0x35: {  	s10 =	sld [smem:$0x3FB4];
	_ =	sdelay $0x3  }
0x36: {  	p1 =	seq.s32 s10, $0x1;
	s10 =	sld [smem:$0x3FB5];
	_ =	sdelay $0x3  }
0x37: {  	[smem:$0x3FB5] =	sst s10  }
0x38: {  	s10 =	sld [smem:$0x3FB6]  }
0x39: {  	_ = 	snop;
	(pc) =	sbr.ind lr, $3  }
0x3a: {  	_ = 	snop  }
0x3b: {  	_ = 	snop  }
0x3c: {  	p2 =	seq.s32 s10, $0x1;
	s10 =	sld [smem:$0x3FB5]  }
0x3d: {  	_ =	shalt  }
0x3e: {  	_ =	shalt  }
0x3f: {  	_ =	shalt  }
0x40: {  	_ =	shalt  }
0x41: {  	_ =	shalt  }
0x42: {  	_ =	shalt  }
0x43: {  	_ =	shalt  }
0x44: {  	_ =	shalt  }
0x45: {  	_ =	shalt  }
0x46: {  	_ =	shalt  }
0x47: {  	_ =	shalt  }
0x48: {  	_ =	shalt  }
0x49: {  	_ =	shalt  }
0x4a: {  	_ =	shalt  }
0x4b: {  	_ =	shalt  }
0x4c: {  	_ =	shalt  }
0x4d: {  	_ =	shalt  }
0x4e: {  	_ =	shalt  }
0x4f: {  	_ =	shalt  }
0x50: {  	_ =	shalt  }
0x51: {  	_ =	shalt  }
0x52: {  	_ =	shalt  }
0x53: {  	_ =	shalt  }
0x54: {  	_ =	shalt  }
0x55: {  	_ =	shalt  }
0x56: {  	_ =	shalt  }
0x57: {  	_ =	shalt  }
0x58: {  	_ =	shalt  }
0x59: {  	_ =	shalt  }
0x5a: {  	_ =	shalt  }
0x5b: {  	_ =	shalt  }
0x5c: {  	_ =	shalt  }
0x5d: {  	_ =	shalt  }
0x5e: {  	_ =	shalt  }
0x5f: {  	_ =	shalt  }
0x60: {  	_ =	shalt  }
0x61: {  	_ =	shalt  }
0x62: {  	_ =	shalt  }
0x63: {  	_ =	shalt  }
0x64: {  	_ =	shalt  }
0x65: {  	_ =	shalt  }
0x66: {  	_ =	shalt  }
0x67: {  	_ =	shalt  }
0x68: {  	_ =	shalt  }
0x69: {  	_ =	shalt  }
0x6a: {  	_ =	shalt  }
0x6b: {  	_ =	shalt  }
0x6c: {  	_ =	shalt  }
0x6d: {  	_ =	shalt  }
0x6e: {  	_ =	shalt  }
0x6f: {  	_ =	shalt  }
0x70: {  	_ =	shalt  }
0x71: {  	_ =	shalt  }
0x72: {  	_ =	shalt  }
0x73: {  	_ =	shalt  }
0x74: {  	_ =	shalt  }
0x75: {  	_ =	shalt  }
0x76: {  	_ =	shalt  }
0x77: {  	_ =	shalt  }
0x78: {  	_ =	shalt  }
0x79: {  	_ =	shalt  }
0x7a: {  	_ =	shalt  }
0x7b: {  	_ =	shalt  }
0x7c: {  	_ =	shalt  }
0x7d: {  	_ =	shalt  }
0x7e: {  	_ =	shalt  }
0x7f: {  	_ =	shalt  }
0x80: {  	_ =	shalt  }
0x81: {  	_ =	shalt  }
0x82: {  	_ =	shalt  }
0x83: {  	_ =	shalt  }
0x84: {  	_ =	shalt  }
0x85: {  	_ =	shalt  }
0x86: {  	_ =	shalt  }
0x87: {  	_ =	shalt  }
.Lfunc_end0:
.L_simem_size_0:
called_computation_lowered:
.L_overlay_start_0:
0x88: {  	s2 =	sld [smem:$0x3FD9]  }
0x89: {  	s3 =	sld [smem:$0x3FFE];
	_ =	sdelay $0x1  }
0x8a: {  	s1 =	srdreg.scid  }
0x8b: {  	s0 =	sand.u32 $0x1, s1  }
0x8c: {  	s17 =	sshll.u32 s0, $0xA;
	s2 =	sadd.s32 s3, s2  }
0x8d: {  	s2 =	sadd.s32 s2, s17  }
0x8e: {  	[smem:$0x3FC1] =	sst s2  }
0x8f: {  	_ = 	snop  }
0x90: {  	s2 =	sld [smem:$0x3FD0];
	(tm) =	ssettm $0x1  }
0x91: {  	s18 =	sld [smem:$0x3FFB];
	_ =	sdelay $0x3  }
0x92: {  	_ =	strace s18  }
0x93: {  	s3 =	sld [smem:$0x3FFC];
	_ =	sdelay $0x3  }
0x94: {  	_ =	strace s3  }
0x95: {  	s3 =	sld [smem:$0x3FFD];
	_ =	sdelay $0x3  }
0x96: {  	_ =	strace s3  }
0x97: {  	_ =	strace $0x8FFFFFFF  }
0x98: {  	s19 =	sld [smem:$0x3FDB];
	_ =	sdelay $0x1  }
0x99: {  	s4 =	simm.s32 $_scs_section_size  }
0x9a: {  	s5 =	simm.s32 $_size__tile_overlayer_lowered;
	s6 =	simm.s32 $_tile_overlayer_lowered  }
0x9b: {  	s22 =	simm.s32 $0x1BFF;
	s21 =	sshll.u32 s6, $0x1;
	s3 =	sadd.s32 s4, s19  }
0x9c: {  	s7 =	simm.s32 $0x0;
	s20 =	sshll.u32 s5, $0x1;
	s5 =	sadd.s32 s21, s3  }
0x9d: {  	[timem:s7], [sflag:s22] =	dma.local [hbm:s5], s20  }
0x9e: {  	_ =	swait.ge [sflag:s22], s20  }
0x9f: {  	s4 =	ssub.s32 $0x0, s20;
	[sflag:s22] =	ssyncset.done $0x0  }
0xa0: {  	[sflag:s22] =	ssyncadd.s32 s4;
	_ =	sdelay $0x1  }
0xa1: {  	s23 =	simm.s32 $0x1B8B  }
0xa2: {  	_ =	swait.ge [sflag:s23], $0x1  }
0xa3: {  	[sflag:s23] =	ssyncset.done $0x0  }
0xa4: {  	s25 =	simm.s32 $0x1B8E;
	s24 =	sld [smem:$0x3FFE];
	[sflag:s23] =	ssyncadd.s32 $0xFFFFFFFF  }
0xa5: {  	s26 =	simm.s32 $execute0_lowered;
	[smem:$0x3FD2] =	sst s25  }
0xa6: {  	s5 =	sshll.u32 s26, $0x1;
	_ =	strace $0x80000046;
	[dreg:$0x1] =	wrdreg $0xFFFFFFFF  }
0xa7: {  	s28 =	simm.s32 $_size_execute0_lowered;
	s3 =	sadd.s32 s3, s5;
	[dreg:$0x0] =	wrdreg $0x0  }
0xa8: {  	s5 =	sshll.u32 s28, $0x1;
	[dreg:$0x2] =	wrdreg s3  }
0xa9: {  	[dreg:$0x3] =	wrdreg s5  }
0xaa: {  	[dreg:$0x4] =	wrdreg $0xC0  }
0xab: {  	_ =	task [dreg:s7], $0x5FFFF  }
0xac: {  	[dreg:$0x1] =	wrdreg $0xFFFFFFFF  }
0xad: {  	[dreg:$0x0] =	wrdreg $0x60  }
0xae: {  	[dreg:$0x2] =	wrdreg s2  }
0xaf: {  	[dreg:$0x3] =	wrdreg s24  }
0xb0: {  	[dreg:$0x4] =	wrdreg $0x9  }
0xb1: {  	_ =	task.clear_ibuf [dreg:s7], $0x5FFFF;
	_ =	strace $0x90000046  }
0xb2: {  	s29 =	simm.s32 $0x9;
	_ =	strace $0x80000048  }
0xb3: {  	_ =	swait.ge [sflag:s29], $0x1  }
0xb4: {  	[sflag:s29] =	ssyncadd.s32 $0xFFFFFFFF  }
0xb5: {  	_ =	strace $0x90000048  }
0xb6: {  	_ =	sfence  }
0xb7: {  	s30 =	sld [smem:$0x0];
	_ =	sdelay $0x2  }
0xb8: {  	s31 =	sshll.u32 s1, $0xD;
	s1 =	sshrl.u32 s1, $0x2  }
0xb9: {  	s3 =	sand.u32 $0x4000, s31;
	s1 =	sadd.s32 s1, s30  }
0xba: {  	s0 =	sor.u32 s3, s0;
	s1 =	sshll.u32 s1, $0x11  }
0xbb: {  	s0 =	sor.u32 s1, s0  }
0xbc: {  	s0 =	sadd.s32 $0x8F2B, s0  }
0xbd: {  	[sflag:s0] =	ssyncadd.remote.s32 $0x1  }
0xbe: {  	_ =	sfence.sel $0xFFFF  }
0xbf: {  	[dreg:$0x0] =	wrdreg $0xFFFFFFFF;
	(pc) =	sbr.abs _section_cstart, $3  }
0xc0: {  	[dreg:$0x1] =	wrdreg $0xFFFFFFFF  }
0xc1: {  	_ =	task.clear_ibuf [dreg:s7], $0x2FFFF;
	_ =	strace $0x9FFFFFFF  }
0xc2: {  	(tm) =	ssettm $0x7FFFFFFF  }
0xc3: {  	_ =	shalt  }
tec
execute0_lowered:
.L_overlay_start_1:
0x0: {  	(tag) =	ssettag $0x1  }
0x1: {  	s3 =	stileid.u32  }
0x2: {  	p0 =	sgt.u32 s3, $0xB  }
.Ltmp0:
0x3: {  	_ = 	snop;
	(pc) =	sbr.rel @p0 .LBB2_16-.Ltmp0, $4  }
0x4: {  	_ = 	snop  }
0x5: {  	s0 =	rddreg [dreg:$0x0];
	s2 =	simm.s32 $0x0  }
0x6: {  	[smem:$0x7FF] =	sst s2  }
0x7: {  	s1 =	rddreg [dreg:$0x1];
	_ =	strace $0x80000047  }
0x8: {  	s3 =	srdreg.scid  }
0x9: {  	s8 =	stileid.u32;
	s7 =	sadd.s32 $0xA00, s1;
	s12 =	simm.s32 $0x80  }
0xa: {  	s13 =	simm.s32 $0x100;
	s14 =	simm.s32 $0x13900;
	s15 =	simm.s32 $0x14D00  }
0xb: {  	s18 =	simm.s32 $0x1B400;
	s19 =	simm.s32 $0x1D380;
	s20 =	simm.s32 $0x1  }
0xc: {  	s21 =	simm.s32 $0x2;
	s22 =	simm.s32 $0x3;
	s23 =	simm.s32 $0x4  }
0xd: {  	s28 =	simm.s32 $0x6;
	s29 =	simm.s32 $0x7;
	s30 =	simm.s32 $0x8  }
0xe: {  	s31 =	simm.s32 $0x0;
	s4 =	sand.u32 $0x1, s3;
	s5 =	smul.u32 $0x13900, s8  }
0xf: {  	s3 =	sadd.s32 $0x6E00, s1;
	s8 =	smul.u32 $0x500, s8;
	s6 =	sshll.u32 s4, $0x7  }
0x10: {  	s24 =	ssub.s32 $0x2, s4;
	s4 =	sadd.s32 $0x4600, s1;
	s5 =	sor.u32 s6, s5  }
0x11: {  	s9 =	sshrl.u32 s24, $0x1;
	s6 =	sadd.s32 s7, s8;
	s7 =	sadd.s32 $0x3E8, s4  }
0x12: {  	s8 =	sadd.s32 $0x3E8, s3;
	s10 =	sshrl.u32 s5, $0x3;
	s26 =	ssub.s32 s24, s9  }
0x13: {  	s9 =	sadd.s32 $0x10, s6;
	s24 =	simm.s32 $0x5;
	s25 =	sadd.s32 s10, s1  }
0x14: {  	s10 =	sadd.s32 s0, s10;
	s11 =	smax.u32 s26, $0x1;
	s1 =	sadd.s32 $0x9600, s25  }
0x15: {  	v0 =	vimm.f32 $0.0e+00;
	v1 =	vimm.s32 $0x1388;
	s26 =	simm.s32 $0x9C80;
	s25 =	simm.s32 $0x16100;
	[dreg:$0x3] =	wrdreg s1  }
.LBB2_2:
0x16: {  	[tilespmem:s2], [sflag:$0x1] =	stream.strided.gather [hbm4b:s10+s12], $0x9C80, s13, s12, $0x38;
	[tilespmem:$0x1F300] =	vst v63  }
0x17: {  	_ = 	snop  }
0x18: {  	[tilespmem:s14], [sflag:$0x2] =	stream.strided.gather [hbm4b:s6+s12], $0x1400, s13, s12, $0x38;
	[tilespmem:$0x1F300] =	vst v63  }
0x19: {  	_ = 	snop  }
0x1a: {  	[tilespmem:s15], [sflag:$0x3] =	stream.strided.gather [hbm4b:s9+s12], $0x1400, s13, s12, $0x38;
	[tilespmem:$0x1F300] =	vst v63  }
0x1b: {  	s0 =	simm.s32 $0x17500  }
0x1c: {  	[tilespmem:s0], [sflag:$0x4] =	stream.linear.gather [hbm4b:s3+s2], $0x1F40, $0x38;
	[tilespmem:$0x1F300] =	vst v63  }
0x1d: {  	s17 =	simm.s32 $0x19480  }
0x1e: {  	[tilespmem:s17], [sflag:$0x5] =	stream.linear.gather [hbm4b:s4+s2], $0x1F40, $0x38;
	[tilespmem:$0x1F300] =	vst v63  }
0x1f: {  	_ = 	snop  }
0x20: {  	[tilespmem:s18], [sflag:$0x6] =	stream.linear.gather [hbm4b:s8+s2], $0x1F40, $0x38;
	[tilespmem:$0x1F300] =	vst v63  }
0x21: {  	s0 =	simm.s32 $0x9CC0  }
0x22: {  	[tilespmem:s19], [sflag:$0x7] =	stream.linear.gather [hbm4b:s7+s2], $0x1F40, $0x38;
	[tilespmem:$0x1F300] =	vst v63  }
0x23: {  	[tilespmem:s0+$0xFFFFFFC0] =	vst v0  }
0x24: {  	[tilespmem:s0+$0x30] =	vst v0  }
0x25: {  	[tilespmem:s0+$0x20] =	vst v0  }
0x26: {  	[tilespmem:s0+$0x10] =	vst v0  }
0x27: {  	[tilespmem:s0+$0x0] =	vst v0  }
0x28: {  	[tilespmem:s0+$0xFFFFFFF0] =	vst v0  }
0x29: {  	s1 =	simm.s32 $0x0;
	[tilespmem:s0+$0xFFFFFFE0] =	vst v0  }
.LBB2_3:
0x2a: {  	s1 =	sadd.s32 $0x8, s1;
	[tilespmem:s0+$0xFFFFFFD0] =	vst v0;
	s0 =	sadd.s32 $0x80, s0  }
0x2b: {  	[tilespmem:s0+$0xFFFFFFC0] =	vst v0;
	p0 =	slt.u32 s1, $0x9C0  }
0x2c: {  	[tilespmem:s0+$0x30] =	vst v0  }
.Ltmp1:
0x2d: {  	[tilespmem:s0+$0x20] =	vst v0;
	(pc) =	sbr.rel @p0 .LBB2_3-.Ltmp1, $4  }
0x2e: {  	[tilespmem:s0+$0x10] =	vst v0  }
0x2f: {  	[tilespmem:s0+$0x0] =	vst v0  }
0x30: {  	[tilespmem:s0+$0xFFFFFFF0] =	vst v0  }
0x31: {  	[tilespmem:s0+$0xFFFFFFE0] =	vst v0  }
0x32: {  	[tilespmem:s0+$0xFFFFFFD0] =	vst v0;
	s0 =	simm.s32 $0x40;
	s1 =	simm.s32 $0x0  }
.LBB2_5:
0x33: {  	p0 =	sne.s32 s0, $0x4E00;
	[tilespmem:s1+$0x16100] =	vst v0;
	s1 =	smov.u32 s0;
	s0 =	sadd.s32 $0x40, s0  }
.Ltmp2:
0x34: {  	(pc) =	sbr.rel @p0 .LBB2_5-.Ltmp2, $2  }
0x35: {  	_ =	sdelay $0x2  }
0x36: {  	s1 =	sshra.s32 s1, $0x2  }
0x37: {  	[tilespmem:s1+$0x16100] =	vst v0  }
0x38: {  	_ =	swait.ge [sflag:s20], $0x9C80  }
0x39: {  	[sflag:s20] =	ssyncset.done $0x0  }
0x3a: {  	[sflag:s20] =	ssyncadd.s32 $0xFFFF6380  }
0x3b: {  	_ =	swait.ge [sflag:s21], $0x1400  }
0x3c: {  	[sflag:s21] =	ssyncset.done $0x0  }
0x3d: {  	[sflag:s21] =	ssyncadd.s32 $0xFFFFEC00  }
0x3e: {  	_ =	swait.ge [sflag:s22], $0x1400  }
0x3f: {  	[sflag:s22] =	ssyncset.done $0x0  }
0x40: {  	[sflag:s22] =	ssyncadd.s32 $0xFFFFEC00  }
0x41: {  	v2 =	vld.idx.msk [tilespmem:v1+s14+$0x0], $0xffff  }
0x42: {  	v3 =	vld.idx.msk [tilespmem:v1+s15+$0x0], $0xffff;
	_ =	sdelay $0x4  }
0x43: {  	s0 =	simm.s32 $0x0;
	v2 =	vadd.f32 v3, v2  }
.LBB2_7:
0x44: {  	_ =	swait.ge [sflag:s23], $0x1F40  }
0x45: {  	[sflag:s23] =	ssyncset.done $0x0  }
0x46: {  	[sflag:s23] =	ssyncadd.s32 $0xFFFFE0C0  }
0x47: {  	_ =	swait.ge [sflag:s24], $0x1F40  }
0x48: {  	[sflag:s24] =	ssyncset.done $0x0  }
0x49: {  	s1 =	simm.s32 $0x194A0;
	[sflag:s24] =	ssyncadd.s32 $0xFFFFE0C0  }
0x4a: {  	s16 =	simm.s32 $0x17520;
	v22 =	vld [tilespmem:s1+$0x10]  }
0x4b: {  	v6 =	vld [tilespmem:s16+$0x10];
	_ =	sdelay $0x5  }
0x4c: {  	v4 =	vld [tilespmem:s16+$0x0]  }
0x4d: {  	v5 =	vld.idx.msk [tilespmem:v22+s15+$0x0], $0xffff  }
0x4e: {  	v7 =	vld.idx.msk [tilespmem:v6+s14+$0x0], $0xffff  }
0x4f: {  	v11 =	vld [tilespmem:s1+$0xFFFFFFF0]  }
0x50: {  	v20 =	vld [tilespmem:s1+$0x0]  }
0x51: {  	v3 =	vld [tilespmem:s16+$0xFFFFFFF0];
	_ =	sdelay $0x1  }
0x52: {  	v7 =	vadd.f32 v5, v7  }
0x53: {  	v23 =	vld [tilespmem:s1+$0xFFFFFFE0]  }
0x54: {  	v5 =	vld [tilespmem:s16+$0xFFFFFFE0];
	v8 =	vmul.f32 $9.999999770e-03, v7  }
0x55: {  	v9 =	vld.idx.msk [tilespmem:v4+s14+$0x0], $0xffff;
	vm0 =	vge.f32 v7, $0.0e+00  }
0x56: {  	v10 =	vld.idx.msk [tilespmem:v11+s15+$0x0], $0xffff;
	v7 =	vsel vm0, v7, v8  }
0x57: {  	v8 =	vld.idx.msk [tilespmem:v20+s15+$0x0], $0xffff;
	v7 =	vsub.f32 v7, v2  }
0x58: {  	v12 =	vld.idx.msk [tilespmem:v3+s14+$0x0], $0xffff  }
0x59: {  	v7 =	vmul.f32 $1.442695020e+00, v7;
	_ =	sdelay $0x1  }
0x5a: {  	(erf) = vpow2.f32 v7  }
0x5b: {  	v13 =	vld.idx.msk [tilespmem:v5+s14+$0x0], $0xffff;
	v8 =	vadd.f32 v8, v9  }
0x5c: {  	v7 =	vld.idx.msk [tilespmem:v23+s15+$0x0], $0xffff;
	v9 =	vadd.f32 v10, v12  }
0x5d: {  	v10 =	vmul.f32 $9.999999770e-03, v8  }
0x5e: {  	vm11 =	vge.f32 v8, $0.0e+00;
	v12 =	vmul.f32 $9.999999770e-03, v9  }
0x5f: {  	vm12 =	vge.f32 v9, $0.0e+00;
	v8 =	vsel vm11, v8, v10  }
0x60: {  	v9 =	vsel vm12, v9, v12;
	v8 =	vsub.f32 v8, v2  }
0x61: {  	v7 =	vadd.f32 v7, v13;
	v9 =	vsub.f32 v9, v2  }
0x62: {  	v8 =	vmul.f32 $1.442695020e+00, v8  }
0x63: {  	v12 =	vmul.f32 $9.999999770e-03, v7;
	v9 =	vmul.f32 $1.442695020e+00, v9;
	v10 =	vpop (erf)  }
0x64: {  	s1 =	simm.s32 $0x17560;
	vm13 =	vge.f32 v7, $0.0e+00;
	(erf) = vpow2.f32 v8;
	[tilespmem:v6+s25+$0x0] =	vst.idx.add.f32.msk $0xffff, v10  }
0x65: {  	v7 =	vsel vm13, v7, v12;
	(erf) = vpow2.f32 v9;
	v9 =	vld [tilespmem:s1+$0xFFFFFFE0]  }
0x66: {  	v7 =	vsub.f32 v7, v2;
	v8 =	vld.idx.msk [tilespmem:v22+s2+$0x0], $0xffff;
	_ =	sdelay $0x1  }
0x67: {  	v7 =	vmul.f32 $1.442695020e+00, v7;
	_ =	sdelay $0x1  }
0x68: {  	v13 =	vadd.s32 $0x1390, v22;
	(erf) = vpow2.f32 v7  }
0x69: {  	s16 =	simm.s32 $0x194E0;
	v7 =	vmul.f32 v10, v8  }
0x6a: {  	v12 =	vld [tilespmem:s16+$0xFFFFFFF0]  }
0x6b: {  	[tilespmem:v6+s26+$0x0] =	vst.idx.add.f32.msk $0xffff, v7  }
0x6c: {  	v24 =	vld.idx.msk [tilespmem:v9+s14+$0x0], $0xffff  }
0x6d: {  	v13 =	vld.idx.msk [tilespmem:v13+s2+$0x0], $0xffff;
	v7 =	vpop (erf)  }
0x6e: {  	[tilespmem:v4+s25+$0x0] =	vst.idx.add.f32.msk $0xffff, v7  }
0x6f: {  	v16 =	vadd.s32 $0x1390, v6;
	v8 =	vpop (erf);
	v15 =	vld.idx.msk [tilespmem:v20+s2+$0x0], $0xffff  }
0x70: {  	[tilespmem:v3+s25+$0x0] =	vst.idx.add.f32.msk $0xffff, v8  }
0x71: {  	v17 =	vadd.s32 $0x2720, v22;
	v18 =	vld.idx.msk [tilespmem:v11+s2+$0x0], $0xffff;
	v14 =	vpop (erf)  }
0x72: {  	v13 =	vmul.f32 v10, v13;
	[tilespmem:v5+s25+$0x0] =	vst.idx.add.f32.msk $0xffff, v14  }
0x73: {  	v19 =	vld.idx.msk [tilespmem:v23+s2+$0x0], $0xffff  }
0x74: {  	[tilespmem:v16+s26+$0x0] =	vst.idx.add.f32.msk $0xffff, v13  }
0x75: {  	v16 =	vadd.s32 $0x1390, v20;
	v13 =	vld [tilespmem:s16+$0xFFFFFFE0];
	v15 =	vmul.f32 v7, v15  }
0x76: {  	v17 =	vld.idx.msk [tilespmem:v17+s2+$0x0], $0xffff  }
0x77: {  	v18 =	vmul.f32 v8, v18;
	[tilespmem:v4+s26+$0x0] =	vst.idx.add.f32.msk $0xffff, v15  }
0x78: {  	v26 =	vadd.s32 $0x1390, v23;
	v15 =	vld [tilespmem:s16+$0x10]  }
0x79: {  	v21 =	vadd.s32 $0x2720, v6;
	[tilespmem:v3+s26+$0x0] =	vst.idx.add.f32.msk $0xffff, v18  }
0x7a: {  	v18 =	vadd.s32 $0x3AB0, v22;
	v19 =	vmul.f32 v14, v19;
	v25 =	vld.idx.msk [tilespmem:v16+s2+$0x0], $0xffff  }
0x7b: {  	v27 =	vadd.s32 $0x1390, v11;
	v16 =	vld [tilespmem:s16+$0x0]  }
0x7c: {  	v28 =	vadd.s32 $0x1390, v4;
	v17 =	vmul.f32 v17, v10;
	[tilespmem:v5+s26+$0x0] =	vst.idx.add.f32.msk $0xffff, v19  }
0x7d: {  	v19 =	vld.idx.msk [tilespmem:v26+s2+$0x0], $0xffff  }
0x7e: {  	[tilespmem:v21+s26+$0x0] =	vst.idx.add.f32.msk $0xffff, v17;
	v17 =	vadd.s32 $0x2720, v20  }
0x7f: {  	v18 =	vld.idx.msk [tilespmem:v18+s2+$0x0], $0xffff;
	v21 =	vmul.f32 v7, v25  }
0x80: {  	v25 =	vld.idx.msk [tilespmem:v27+s2+$0x0], $0xffff  }
0x81: {  	v26 =	vadd.s32 $0x3AB0, v6;
	[tilespmem:v28+s26+$0x0] =	vst.idx.add.f32.msk $0xffff, v21  }
0x82: {  	v28 =	vld.idx.msk [tilespmem:v12+s15+$0x0], $0xffff  }
0x83: {  	v21 =	vadd.s32 $0x1390, v5;
	v27 =	vld.idx.msk [tilespmem:v17+s2+$0x0], $0xffff  }
0x84: {  	v30 =	vadd.s32 $0x1390, v3;
	v17 =	vld [tilespmem:s1+$0x10];
	v18 =	vmul.f32 v18, v10  }
0x85: {  	v29 =	vadd.s32 $0x2720, v23;
	v35 =	vld.idx.msk [tilespmem:v16+s15+$0x0], $0xffff  }
0x86: {  	v31 =	vadd.s32 $0x2720, v11;
	v19 =	vmul.f32 v14, v19;
	[tilespmem:v26+s26+$0x0] =	vst.idx.add.f32.msk $0xffff, v18  }
0x87: {  	v25 =	vmul.f32 v8, v25;
	v26 =	vld.idx.msk [tilespmem:v15+s15+$0x0], $0xffff;
	v18 =	vadd.s32 $0x4E40, v22  }
0x88: {  	[tilespmem:v21+s26+$0x0] =	vst.idx.add.f32.msk $0xffff, v19  }
0x89: {  	v19 =	vadd.s32 $0x2720, v4;
	[tilespmem:v30+s26+$0x0] =	vst.idx.add.f32.msk $0xffff, v25  }
0x8a: {  	v21 =	vld.idx.msk [tilespmem:v29+s2+$0x0], $0xffff;
	v29 =	vadd.s32 $0x3AB0, v20  }
0x8b: {  	v25 =	vld.idx.msk [tilespmem:v31+s2+$0x0], $0xffff  }
0x8c: {  	v30 =	vadd.s32 $0x2720, v5;
	v27 =	vmul.f32 v27, v7;
	v31 =	vld.idx.msk [tilespmem:v18+s2+$0x0], $0xffff  }
0x8d: {  	v32 =	vadd.s32 $0x3AB0, v23;
	v18 =	vld [tilespmem:s1+$0xFFFFFFF0]  }
0x8e: {  	[tilespmem:v19+s26+$0x0] =	vst.idx.add.f32.msk $0xffff, v27;
	v19 =	vadd.s32 $0x2720, v3  }
0x8f: {  	v27 =	vld.idx.msk [tilespmem:v29+s2+$0x0], $0xffff;
	v21 =	vmul.f32 v21, v14;
	v29 =	vadd.s32 $0x3AB0, v11  }
0x90: {  	v34 =	vadd.s32 $0x4E40, v6;
	v33 =	vld.idx.msk [tilespmem:v17+s14+$0x0], $0xffff  }
0x91: {  	[tilespmem:v30+s26+$0x0] =	vst.idx.add.f32.msk $0xffff, v21;
	v21 =	vmul.f32 v25, v8  }
0x92: {  	v25 =	vadd.s32 $0x3AB0, v4;
	v30 =	vld.idx.msk [tilespmem:v32+s2+$0x0], $0xffff  }
0x93: {  	v54 =	vadd.s32 $0x4E40, v20;
	v31 =	vmul.f32 v31, v10;
	[tilespmem:v19+s26+$0x0] =	vst.idx.add.f32.msk $0xffff, v21  }
0x94: {  	v19 =	vadd.s32 $0x61D0, v22;
	v21 =	vld.idx.msk [tilespmem:v29+s2+$0x0], $0xffff  }
0x95: {  	v26 =	vadd.f32 v26, v33;
	v27 =	vmul.f32 v27, v7;
	v29 =	vadd.s32 $0x3AB0, v5;
	[tilespmem:v34+s26+$0x0] =	vst.idx.add.f32.msk $0xffff, v31  }
0x96: {  	v31 =	vadd.s32 $0x4E40, v23;
	v58 =	vld.idx.msk [tilespmem:v18+s14+$0x0], $0xffff  }
0x97: {  	v33 =	vmul.f32 $9.999999770e-03, v26;
	[tilespmem:v25+s26+$0x0] =	vst.idx.add.f32.msk $0xffff, v27;
	v25 =	vadd.s32 $0x3AB0, v3  }
0x98: {  	vm14 =	vge.f32 v26, $0.0e+00;
	v27 =	vld.idx.msk [tilespmem:v54+s2+$0x0], $0xffff;
	v30 =	vmul.f32 v30, v14  }
0x99: {  	v55 =	vadd.s32 $0x4E40, v11;
	v26 =	vsel vm14, v26, v33;
	v34 =	vld.idx.msk [tilespmem:v19+s2+$0x0], $0xffff  }
0x9a: {  	v26 =	vsub.f32 v26, v2;
	[tilespmem:v29+s26+$0x0] =	vst.idx.add.f32.msk $0xffff, v30;
	v21 =	vmul.f32 v21, v8;
	v29 =	vadd.s32 $0x4E40, v4  }
0x9b: {  	v30 =	vld.idx.msk [tilespmem:v31+s2+$0x0], $0xffff;
	v31 =	vadd.s32 $0x61D0, v20  }
0x9c: {  	v26 =	vmul.f32 $1.442695020e+00, v26;
	[tilespmem:v25+s26+$0x0] =	vst.idx.add.f32.msk $0xffff, v21;
	v21 =	vadd.s32 $0x61D0, v6  }
0x9d: {  	v56 =	vadd.s32 $0x7560, v22;
	v19 =	vld [tilespmem:s1+$0x0];
	v27 =	vmul.f32 v27, v7  }
0x9e: {  	v36 =	vadd.s32 $0x4E40, v5;
	(erf) = vpow2.f32 v26;
	v25 =	vld.idx.msk [tilespmem:v55+s2+$0x0], $0xffff  }
0x9f: {  	v37 =	vadd.s32 $0x61D0, v23;
	v34 =	vmul.f32 v34, v10;
	[tilespmem:v29+s26+$0x0] =	vst.idx.add.f32.msk $0xffff, v27  }
0xa0: {  	v27 =	vadd.s32 $0x4E40, v3;
	v29 =	vld.idx.msk [tilespmem:v31+s2+$0x0], $0xffff  }
0xa1: {  	v30 =	vmul.f32 v30, v14;
	[tilespmem:v21+s26+$0x0] =	vst.idx.add.f32.msk $0xffff, v34  }
0xa2: {  	v21 =	vadd.s32 $0x61D0, v11;
	v31 =	vld.idx.msk [tilespmem:v56+s2+$0x0], $0xffff  }
0xa3: {  	[tilespmem:v36+s26+$0x0] =	vst.idx.add.f32.msk $0xffff, v30;
	v25 =	vmul.f32 v25, v8  }
0xa4: {  	v57 =	vadd.s32 $0x61D0, v4;
	v30 =	vld.idx.msk [tilespmem:v37+s2+$0x0], $0xffff  }
0xa5: {  	[tilespmem:v27+s26+$0x0] =	vst.idx.add.f32.msk $0xffff, v25  }
0xa6: {  	v26 =	vadd.s32 $0x7560, v20;
	v25 =	vld.idx.msk [tilespmem:v19+s14+$0x0], $0xffff  }
0xa7: {  	v63 =	vadd.s32 $0x88F0, v22;
	v59 =	vadd.s32 $0x61D0, v5;
	v22 =	vpop (erf);
	v27 =	vld.idx.msk [tilespmem:v21+s2+$0x0], $0xffff;
	v21 =	vmul.f32 v29, v7  }
0xa8: {  	v29 =	vadd.s32 $0x7560, v6;
	[tilespmem:v17+s25+$0x0] =	vst.idx.add.f32.msk $0xffff, v22  }
0xa9: {  	v60 =	vadd.s32 $0x7560, v23;
	v61 =	vadd.s32 $0x61D0, v3;
	[tilespmem:v57+s26+$0x0] =	vst.idx.add.f32.msk $0xffff, v21  }
0xaa: {  	v33 =	vadd.f32 v28, v58;
	v21 =	vmul.f32 v31, v10;
	v31 =	vld.idx.msk [tilespmem:v13+s15+$0x0], $0xffff;
	v30 =	vmul.f32 v30, v14  }
0xab: {  	v62 =	vld.idx.msk [tilespmem:v26+s2+$0x0], $0xffff  }
0xac: {  	v38 =	vadd.s32 $0x7560, v11;
	vm1 =	vge.f32 v33, $0.0e+00;
	v35 =	vadd.f32 v35, v25;
	[tilespmem:v59+s26+$0x0] =	vst.idx.add.f32.msk $0xffff, v30  }
0xad: {  	v25 =	vadd.s32 $0x7560, v5;
	[tilespmem:v29+s26+$0x0] =	vst.idx.add.f32.msk $0xffff, v21;
	v21 =	vadd.s32 $0x88F0, v20;
	v30 =	vmul.f32 v27, v8  }
0xae: {  	v28 =	vmul.f32 $9.999999770e-03, v35;
	v26 =	vld.idx.msk [tilespmem:v60+s2+$0x0], $0xffff;
	v27 =	vadd.s32 $0x88F0, v23;
	v23 =	vmul.f32 $9.999999770e-03, v33  }
0xaf: {  	vm15 =	vge.f32 v35, $0.0e+00;
	v29 =	vadd.f32 v31, v24;
	[tilespmem:v61+s26+$0x0] =	vst.idx.add.f32.msk $0xffff, v30;
	v24 =	vadd.s32 $0x7560, v4  }
0xb0: {  	v20 =	vadd.s32 $0x88F0, v16;
	v35 =	vsel vm15, v35, v28;
	v32 =	vsel vm1, v33, v23;
	v23 =	vld.idx.msk [tilespmem:v63+s2+$0x0], $0xffff  }
0xb1: {  	s17 =	simm.s32 $0x4;
	v28 =	vld.idx.msk [tilespmem:v38+s2+$0x0], $0xffff;
	v30 =	vmul.f32 v62, v7;
	v33 =	vsub.f32 v35, v2;
	v31 =	vmul.f32 $9.999999770e-03, v29  }
.LBB2_8:
0xb2: {  	s17 =	sadd.s32 $0x4, s17;
	vm0 =	vge.f32 v29, $0.0e+00;
	v34 =	vld.idx.msk [tilespmem:v15+s2+$0x0], $0xffff;
	s16 =	sadd.s32 $0x40, s16;
	s1 =	sadd.s32 $0x40, s1;
	v35 =	vadd.s32 $0x7560, v3  }
0xb3: {  	v32 =	vsub.f32 v32, v2;
	v26 =	vmul.f32 v26, v14;
	v36 =	vld [tilespmem:s16+$0xFFFFFFF0];
	p0 =	slt.u32 s17, $0x1F0;
	v33 =	vmul.f32 $1.442695020e+00, v33  }
0xb4: {  	v29 =	vsel vm0, v29, v31;
	v31 =	vadd.s32 $0x88F0, v11;
	v11 =	vmov v12;
	[tilespmem:v24+s26+$0x0] =	vst.idx.add.f32.msk $0xffff, v30  }
0xb5: {  	v37 =	vsub.f32 v29, v2;
	v24 =	vmul.f32 $1.442695020e+00, v32;
	(erf) = vpow2.f32 v33;
	[tilespmem:v25+s26+$0x0] =	vst.idx.add.f32.msk $0xffff, v26  }
0xb6: {  	v26 =	vmul.f32 v28, v8;
	v25 =	vld.idx.msk [tilespmem:v27+s2+$0x0], $0xffff;
	v27 =	vadd.s32 $0x88F0, v6;
	v6 =	vmov v17  }
0xb7: {  	v29 =	vadd.s32 $0x1390, v15;
	v28 =	vmul.f32 $1.442695020e+00, v37;
	v23 =	vmul.f32 v23, v10;
	v10 =	vmovc v22;
	v30 =	vld.idx.msk [tilespmem:v21+s2+$0x0], $0xffff;
	v21 =	vmovc v20  }
0xb8: {  	v20 =	vmul.f32 v10, v34;
	(erf) = vpow2.f32 v24;
	[tilespmem:v35+s26+$0x0] =	vst.idx.add.f32.msk $0xffff, v26;
	v12 =	vmov v36  }
0xb9: {  	v22 =	vadd.s32 $0x88F0, v5;
	v5 =	vmov v9;
	v24 =	vld.idx.msk [tilespmem:v31+s2+$0x0], $0xffff  }
0xba: {  	[tilespmem:v17+s26+$0x0] =	vst.idx.add.f32.msk $0xffff, v20  }
0xbb: {  	v17 =	vadd.s32 $0x88F0, v4;
	v4 =	vmov v19;
	(erf) = vpow2.f32 v28;
	[tilespmem:v27+s26+$0x0] =	vst.idx.add.f32.msk $0xffff, v23  }
0xbc: {  	v14 =	vmul.f32 v25, v14;
	v20 =	vld.idx.msk [tilespmem:v29+s2+$0x0], $0xffff  }
0xbd: {  	v23 =	vadd.s32 $0x88F0, v3;
	v3 =	vmov v18;
	v25 =	vmul.f32 v30, v7;
	v9 =	vld [tilespmem:s1+$0xFFFFFFE0]  }
0xbe: {  	v7 =	vpop (erf);
	[tilespmem:v22+s26+$0x0] =	vst.idx.add.f32.msk $0xffff, v14  }
0xbf: {  	v14 =	vmul.f32 v24, v8;
	[tilespmem:v19+s25+$0x0] =	vst.idx.add.f32.msk $0xffff, v7  }
0xc0: {  	[tilespmem:v17+s26+$0x0] =	vst.idx.add.f32.msk $0xffff, v25  }
0xc1: {  	v17 =	vld.idx.msk [tilespmem:v16+s2+$0x0], $0xffff;
	v8 =	vpop (erf)  }
0xc2: {  	v18 =	vadd.s32 $0x1390, v6;
	v19 =	vmul.f32 v10, v20;
	[tilespmem:v23+s26+$0x0] =	vst.idx.add.f32.msk $0xffff, v14  }
0xc3: {  	v20 =	vadd.s32 $0x2720, v15;
	[tilespmem:v3+s25+$0x0] =	vst.idx.add.f32.msk $0xffff, v8  }
0xc4: {  	v22 =	vld.idx.msk [tilespmem:v11+s2+$0x0], $0xffff;
	v14 =	vpop (erf)  }
0xc5: {  	v23 =	vld.idx.msk [tilespmem:v9+s14+$0x0], $0xffff  }
0xc6: {  	[tilespmem:v5+s25+$0x0] =	vst.idx.add.f32.msk $0xffff, v14  }
0xc7: {  	[tilespmem:v18+s26+$0x0] =	vst.idx.add.f32.msk $0xffff, v19  }
0xc8: {  	v18 =	vadd.s32 $0x1390, v16;
	v19 =	vld.idx.msk [tilespmem:v20+s2+$0x0], $0xffff  }
0xc9: {  	v17 =	vmul.f32 v7, v17;
	v20 =	vld.idx.msk [tilespmem:v13+s2+$0x0], $0xffff  }
0xca: {  	v22 =	vmul.f32 v8, v22;
	v24 =	vld [tilespmem:s16+$0xFFFFFFE0]  }
0xcb: {  	[tilespmem:v4+s26+$0x0] =	vst.idx.add.f32.msk $0xffff, v17;
	v17 =	vadd.s32 $0x2720, v6  }
0xcc: {  	v26 =	vadd.s32 $0x3AB0, v15;
	[tilespmem:v3+s26+$0x0] =	vst.idx.add.f32.msk $0xffff, v22  }
0xcd: {  	v18 =	vld.idx.msk [tilespmem:v18+s2+$0x0], $0xffff  }
0xce: {  	v27 =	vadd.s32 $0x1390, v13;
	v19 =	vmul.f32 v19, v10;
	v22 =	vld [tilespmem:s16+$0x0]  }
0xcf: {  	v28 =	vadd.s32 $0x1390, v11;
	v25 =	vld [tilespmem:s16+$0x10]  }
0xd0: {  	v29 =	vadd.s32 $0x1390, v4;
	v20 =	vmul.f32 v14, v20;
	[tilespmem:v17+s26+$0x0] =	vst.idx.add.f32.msk $0xffff, v19  }
0xd1: {  	v17 =	vadd.s32 $0x2720, v16;
	v19 =	vld.idx.msk [tilespmem:v26+s2+$0x0], $0xffff  }
0xd2: {  	[tilespmem:v5+s26+$0x0] =	vst.idx.add.f32.msk $0xffff, v20  }
0xd3: {  	v18 =	vmul.f32 v7, v18;
	v20 =	vadd.s32 $0x88F0, v22;
	v27 =	vld.idx.msk [tilespmem:v27+s2+$0x0], $0xffff  }
0xd4: {  	v30 =	vadd.s32 $0x3AB0, v6;
	v28 =	vld.idx.msk [tilespmem:v28+s2+$0x0], $0xffff  }
0xd5: {  	[tilespmem:v29+s26+$0x0] =	vst.idx.add.f32.msk $0xffff, v18  }
0xd6: {  	v18 =	vadd.s32 $0x1390, v5;
	v29 =	vld.idx.msk [tilespmem:v17+s2+$0x0], $0xffff  }
0xd7: {  	v31 =	vadd.s32 $0x2720, v13;
	v19 =	vmul.f32 v19, v10;
	v26 =	vld.idx.msk [tilespmem:v12+s15+$0x0], $0xffff  }
0xd8: {  	v32 =	vadd.s32 $0x1390, v3;
	v17 =	vld [tilespmem:s1+$0x10]  }
0xd9: {  	v33 =	vadd.s32 $0x2720, v11;
	v27 =	vmul.f32 v14, v27;
	[tilespmem:v30+s26+$0x0] =	vst.idx.add.f32.msk $0xffff, v19  }
0xda: {  	v28 =	vmul.f32 v8, v28;
	v30 =	vadd.s32 $0x4E40, v15;
	v19 =	vld.idx.msk [tilespmem:v25+s15+$0x0], $0xffff  }
0xdb: {  	[tilespmem:v18+s26+$0x0] =	vst.idx.add.f32.msk $0xffff, v27;
	v18 =	vadd.s32 $0x2720, v4  }
0xdc: {  	v27 =	vld.idx.msk [tilespmem:v31+s2+$0x0], $0xffff;
	v31 =	vadd.s32 $0x3AB0, v16  }
0xdd: {  	[tilespmem:v32+s26+$0x0] =	vst.idx.add.f32.msk $0xffff, v28  }
0xde: {  	v29 =	vmul.f32 v29, v7;
	v28 =	vld.idx.msk [tilespmem:v33+s2+$0x0], $0xffff  }
0xdf: {  	v32 =	vadd.s32 $0x2720, v5;
	v30 =	vld.idx.msk [tilespmem:v30+s2+$0x0], $0xffff  }
0xe0: {  	v33 =	vadd.s32 $0x3AB0, v13;
	[tilespmem:v18+s26+$0x0] =	vst.idx.add.f32.msk $0xffff, v29  }
0xe1: {  	v29 =	vadd.s32 $0x2720, v3;
	v31 =	vld.idx.msk [tilespmem:v31+s2+$0x0], $0xffff  }
0xe2: {  	v34 =	vadd.s32 $0x3AB0, v11;
	v27 =	vmul.f32 v27, v14;
	v18 =	vld [tilespmem:s1+$0xFFFFFFF0]  }
0xe3: {  	v36 =	vadd.s32 $0x4E40, v6;
	v35 =	vld.idx.msk [tilespmem:v17+s14+$0x0], $0xffff  }
0xe4: {  	[tilespmem:v32+s26+$0x0] =	vst.idx.add.f32.msk $0xffff, v27;
	v27 =	vmul.f32 v28, v8;
	v28 =	vadd.s32 $0x3AB0, v4  }
0xe5: {  	v30 =	vmul.f32 v30, v10;
	v32 =	vld.idx.msk [tilespmem:v33+s2+$0x0], $0xffff;
	v33 =	vadd.s32 $0x4E40, v16  }
0xe6: {  	[tilespmem:v29+s26+$0x0] =	vst.idx.add.f32.msk $0xffff, v27;
	v27 =	vadd.s32 $0x61D0, v15  }
0xe7: {  	v31 =	vmul.f32 v31, v7;
	v29 =	vld.idx.msk [tilespmem:v34+s2+$0x0], $0xffff  }
0xe8: {  	v34 =	vadd.s32 $0x3AB0, v5;
	[tilespmem:v36+s26+$0x0] =	vst.idx.add.f32.msk $0xffff, v30  }
0xe9: {  	v30 =	vadd.f32 v19, v35;
	v35 =	vadd.s32 $0x4E40, v13;
	[tilespmem:v28+s26+$0x0] =	vst.idx.add.f32.msk $0xffff, v31  }
0xea: {  	v28 =	vadd.s32 $0x3AB0, v3;
	v31 =	vld.idx.msk [tilespmem:v33+s2+$0x0], $0xffff  }
0xeb: {  	v36 =	vadd.s32 $0x4E40, v11;
	v33 =	vmul.f32 $9.999999770e-03, v30;
	v32 =	vmul.f32 v32, v14;
	v27 =	vld.idx.msk [tilespmem:v27+s2+$0x0], $0xffff  }
0xec: {  	vm0 =	vge.f32 v30, $0.0e+00;
	v19 =	vld [tilespmem:s1+$0x0]  }
0xed: {  	v30 =	vsel vm0, v30, v33;
	v29 =	vmul.f32 v29, v8;
	[tilespmem:v34+s26+$0x0] =	vst.idx.add.f32.msk $0xffff, v32;
	v32 =	vadd.s32 $0x4E40, v4  }
0xee: {  	v30 =	vsub.f32 v30, v2;
	v34 =	vadd.s32 $0x61D0, v16;
	v33 =	vld.idx.msk [tilespmem:v35+s2+$0x0], $0xffff  }
0xef: {  	[tilespmem:v28+s26+$0x0] =	vst.idx.add.f32.msk $0xffff, v29;
	v28 =	vadd.s32 $0x61D0, v6  }
0xf0: {  	v35 =	vadd.s32 $0x7560, v15;
	v29 =	vmul.f32 $1.442695020e+00, v30;
	v31 =	vmul.f32 v31, v7;
	v30 =	vld.idx.msk [tilespmem:v36+s2+$0x0], $0xffff  }
0xf1: {  	v37 =	vadd.s32 $0x4E40, v5;
	v27 =	vmul.f32 v27, v10;
	v36 =	vld.idx.msk [tilespmem:v22+s15+$0x0], $0xffff  }
0xf2: {  	v38 =	vadd.s32 $0x61D0, v13;
	[tilespmem:v32+s26+$0x0] =	vst.idx.add.f32.msk $0xffff, v31  }
0xf3: {  	v31 =	vadd.s32 $0x4E40, v3;
	v32 =	vld.idx.msk [tilespmem:v34+s2+$0x0], $0xffff  }
0xf4: {  	v33 =	vmul.f32 v33, v14;
	[tilespmem:v28+s26+$0x0] =	vst.idx.add.f32.msk $0xffff, v27  }
0xf5: {  	v27 =	vadd.s32 $0x61D0, v11;
	v28 =	vld.idx.msk [tilespmem:v35+s2+$0x0], $0xffff  }
0xf6: {  	v30 =	vmul.f32 v30, v8;
	[tilespmem:v37+s26+$0x0] =	vst.idx.add.f32.msk $0xffff, v33  }
0xf7: {  	v33 =	vadd.s32 $0x61D0, v4;
	(erf) = vpow2.f32 v29;
	v29 =	vld.idx.msk [tilespmem:v38+s2+$0x0], $0xffff  }
0xf8: {  	[tilespmem:v31+s26+$0x0] =	vst.idx.add.f32.msk $0xffff, v30  }
0xf9: {  	v31 =	vadd.s32 $0x7560, v16;
	v16 =	vmov v22;
	v30 =	vld.idx.msk [tilespmem:v19+s14+$0x0], $0xffff  }
0xfa: {  	v22 =	vmul.f32 v32, v7;
	v32 =	vadd.s32 $0x7560, v6;
	v27 =	vld.idx.msk [tilespmem:v27+s2+$0x0], $0xffff  }
0xfb: {  	v35 =	vadd.s32 $0x61D0, v5;
	v28 =	vmul.f32 v28, v10;
	v34 =	vld.idx.msk [tilespmem:v18+s14+$0x0], $0xffff  }
0xfc: {  	v37 =	vadd.s32 $0x7560, v13;
	[tilespmem:v33+s26+$0x0] =	vst.idx.add.f32.msk $0xffff, v22  }
0xfd: {  	v33 =	vld.idx.msk [tilespmem:v24+s15+$0x0], $0xffff  }
0xfe: {  	v38 =	vadd.s32 $0x61D0, v3;
	v29 =	vmul.f32 v29, v14;
	v31 =	vld.idx.msk [tilespmem:v31+s2+$0x0], $0xffff  }
0xff: {  	v30 =	vadd.f32 v36, v30;
	v36 =	vadd.s32 $0x7560, v11;
	[tilespmem:v32+s26+$0x0] =	vst.idx.add.f32.msk $0xffff, v28  }
0x100: {  	v28 =	vmul.f32 v27, v8;
	v22 =	vpop (erf);
	[tilespmem:v35+s26+$0x0] =	vst.idx.add.f32.msk $0xffff, v29;
	v35 =	vadd.s32 $0x88F0, v15;
	v15 =	vmov v25  }
.Ltmp3:
0x101: {  	v32 =	vadd.f32 v26, v34;
	v34 =	vmul.f32 $9.999999770e-03, v30;
	v26 =	vld.idx.msk [tilespmem:v37+s2+$0x0], $0xffff;
	(pc) =	sbr.rel @p0 .LBB2_8-.Ltmp3, $4  }
0x102: {  	v27 =	vadd.s32 $0x88F0, v13;
	v13 =	vmovc v24;
	vm0 =	vge.f32 v30, $0.0e+00;
	v25 =	vadd.s32 $0x7560, v5;
	[tilespmem:v17+s25+$0x0] =	vst.idx.add.f32.msk $0xffff, v22  }
0x103: {  	v24 =	vadd.s32 $0x7560, v4;
	v29 =	vadd.f32 v33, v23;
	v23 =	vmul.f32 $9.999999770e-03, v32;
	[tilespmem:v38+s26+$0x0] =	vst.idx.add.f32.msk $0xffff, v28  }
0x104: {  	vm1 =	vge.f32 v32, $0.0e+00;
	v33 =	vsel vm0, v30, v34;
	v30 =	vmul.f32 v31, v7;
	v28 =	vld.idx.msk [tilespmem:v36+s2+$0x0], $0xffff  }
0x105: {  	v33 =	vsub.f32 v33, v2;
	v31 =	vmul.f32 $9.999999770e-03, v29;
	v32 =	vsel vm1, v32, v23;
	v23 =	vld.idx.msk [tilespmem:v35+s2+$0x0], $0xffff  }
0x106: {  	_ =	sdelay $0x1  }
0x107: {  	vm0 =	vge.f32 v29, $0.0e+00;
	v32 =	vsub.f32 v32, v2;
	v33 =	vmul.f32 $1.442695020e+00, v33  }
0x108: {  	v29 =	vsel vm0, v29, v31  }
0x109: {  	v40 =	vld.idx.msk [tilespmem:v15+s2+$0x0], $0xffff;
	v29 =	vsub.f32 v29, v2;
	v31 =	vmul.f32 $1.442695020e+00, v32;
	(erf) = vpow2.f32 v33;
	_ =	sdelay $0x1  }
0x10a: {  	v29 =	vmul.f32 $1.442695020e+00, v29;
	(erf) = vpow2.f32 v31;
	_ =	sdelay $0x1  }
0x10b: {  	v31 =	vadd.s32 $0x1390, v15;
	(erf) = vpow2.f32 v29  }
0x10c: {  	v26 =	vmul.f32 v26, v14;
	[tilespmem:v24+s26+$0x0] =	vst.idx.add.f32.msk $0xffff, v30;
	v24 =	vmul.f32 v22, v40;
	_ =	sdelay $0x1  }
0x10d: {  	[tilespmem:v25+s26+$0x0] =	vst.idx.add.f32.msk $0xffff, v26  }
0x10e: {  	[tilespmem:v17+s26+$0x0] =	vst.idx.add.f32.msk $0xffff, v24  }
0x10f: {  	v29 =	vld.idx.msk [tilespmem:v31+s2+$0x0], $0xffff;
	v24 =	vpop (erf)  }
0x110: {  	[tilespmem:v19+s25+$0x0] =	vst.idx.add.f32.msk $0xffff, v24  }
0x111: {  	v31 =	vadd.s32 $0x1390, v17;
	v25 =	vpop (erf);
	v30 =	vld.idx.msk [tilespmem:v16+s2+$0x0], $0xffff  }
0x112: {  	v41 =	vadd.s32 $0x2720, v15;
	[tilespmem:v18+s25+$0x0] =	vst.idx.add.f32.msk $0xffff, v25  }
0x113: {  	v42 =	vld.idx.msk [tilespmem:v12+s2+$0x0], $0xffff;
	v26 =	vpop (erf)  }
0x114: {  	v29 =	vmul.f32 v22, v29;
	[tilespmem:v9+s25+$0x0] =	vst.idx.add.f32.msk $0xffff, v26  }
0x115: {  	v34 =	vld.idx.msk [tilespmem:v13+s2+$0x0], $0xffff  }
0x116: {  	[tilespmem:v31+s26+$0x0] =	vst.idx.add.f32.msk $0xffff, v29;
	v29 =	vadd.s32 $0x1390, v16  }
0x117: {  	v31 =	vld.idx.msk [tilespmem:v41+s2+$0x0], $0xffff;
	v30 =	vmul.f32 v24, v30  }
0x118: {  	v44 =	vadd.s32 $0x1390, v13;
	v21 =	vld.idx.msk [tilespmem:v21+s2+$0x0], $0xffff;
	v43 =	vmul.f32 v25, v42  }
0x119: {  	[tilespmem:v19+s26+$0x0] =	vst.idx.add.f32.msk $0xffff, v30;
	v30 =	vadd.s32 $0x2720, v17  }
0x11a: {  	v45 =	vadd.s32 $0x3AB0, v15;
	[tilespmem:v18+s26+$0x0] =	vst.idx.add.f32.msk $0xffff, v43;
	v34 =	vmul.f32 v26, v34  }
0x11b: {  	v35 =	vadd.s32 $0x1390, v12;
	v29 =	vld.idx.msk [tilespmem:v29+s2+$0x0], $0xffff  }
0x11c: {  	v31 =	vmul.f32 v31, v22;
	[tilespmem:v9+s26+$0x0] =	vst.idx.add.f32.msk $0xffff, v34  }
0x11d: {  	v46 =	vadd.s32 $0x1390, v19;
	v33 =	vld.idx.msk [tilespmem:v44+s2+$0x0], $0xffff  }
0x11e: {  	[tilespmem:v30+s26+$0x0] =	vst.idx.add.f32.msk $0xffff, v31;
	v30 =	vadd.s32 $0x2720, v16  }
0x11f: {  	v47 =	vadd.s32 $0x1390, v9;
	v31 =	vld.idx.msk [tilespmem:v45+s2+$0x0], $0xffff  }
0x120: {  	v36 =	vadd.s32 $0x2720, v13;
	v35 =	vld.idx.msk [tilespmem:v35+s2+$0x0], $0xffff;
	v29 =	vmul.f32 v24, v29  }
0x121: {  	v37 =	vadd.s32 $0x3AB0, v17;
	v27 =	vld.idx.msk [tilespmem:v27+s2+$0x0], $0xffff  }
0x122: {  	[tilespmem:v46+s26+$0x0] =	vst.idx.add.f32.msk $0xffff, v29;
	v29 =	vadd.s32 $0x1390, v18;
	v33 =	vmul.f32 v26, v33  }
0x123: {  	v48 =	vadd.s32 $0x2720, v12;
	v30 =	vld.idx.msk [tilespmem:v30+s2+$0x0], $0xffff  }
0x124: {  	v38 =	vadd.s32 $0x4E40, v15;
	v31 =	vmul.f32 v31, v22;
	[tilespmem:v47+s26+$0x0] =	vst.idx.add.f32.msk $0xffff, v33  }
0x125: {  	v50 =	vadd.s32 $0x2720, v19;
	v49 =	vmul.f32 v25, v35;
	v51 =	vld.idx.msk [tilespmem:v36+s2+$0x0], $0xffff  }
0x126: {  	[tilespmem:v37+s26+$0x0] =	vst.idx.add.f32.msk $0xffff, v31;
	v31 =	vadd.s32 $0x3AB0, v16  }
0x127: {  	[tilespmem:v29+s26+$0x0] =	vst.idx.add.f32.msk $0xffff, v49;
	v29 =	vadd.s32 $0x2720, v9  }
0x128: {  	v52 =	vadd.s32 $0x3AB0, v13;
	v32 =	vld.idx.msk [tilespmem:v48+s2+$0x0], $0xffff;
	v30 =	vmul.f32 v30, v24  }
0x129: {  	v53 =	vadd.s32 $0x7560, v3;
	v37 =	vld.idx.msk [tilespmem:v38+s2+$0x0], $0xffff  }
0x12a: {  	[tilespmem:v50+s26+$0x0] =	vst.idx.add.f32.msk $0xffff, v30;
	v30 =	vadd.s32 $0x2720, v18;
	v54 =	vmul.f32 v51, v26  }
0x12b: {  	v55 =	vadd.s32 $0x3AB0, v12;
	v31 =	vld.idx.msk [tilespmem:v31+s2+$0x0], $0xffff  }
0x12c: {  	v56 =	vadd.s32 $0x4E40, v17;
	v28 =	vmul.f32 v28, v8;
	[tilespmem:v29+s26+$0x0] =	vst.idx.add.f32.msk $0xffff, v54  }
0x12d: {  	v57 =	vadd.s32 $0x3AB0, v19;
	v29 =	vmul.f32 v32, v25;
	v33 =	vld.idx.msk [tilespmem:v52+s2+$0x0], $0xffff  }
0x12e: {  	[tilespmem:v53+s26+$0x0] =	vst.idx.add.f32.msk $0xffff, v28;
	v28 =	vadd.s32 $0x4E40, v16  }
0x12f: {  	v58 =	vmul.f32 v37, v22;
	[tilespmem:v30+s26+$0x0] =	vst.idx.add.f32.msk $0xffff, v29;
	v29 =	vadd.s32 $0x3AB0, v9  }
0x130: {  	v59 =	vadd.s32 $0x4E40, v13;
	v30 =	vld.idx.msk [tilespmem:v55+s2+$0x0], $0xffff;
	v31 =	vmul.f32 v31, v24  }
0x131: {  	v60 =	vadd.s32 $0x61D0, v15;
	[tilespmem:v56+s26+$0x0] =	vst.idx.add.f32.msk $0xffff, v58  }
0x132: {  	[tilespmem:v57+s26+$0x0] =	vst.idx.add.f32.msk $0xffff, v31;
	v31 =	vadd.s32 $0x3AB0, v18;
	v61 =	vmul.f32 v33, v26  }
0x133: {  	v62 =	vadd.s32 $0x4E40, v12;
	v28 =	vld.idx.msk [tilespmem:v28+s2+$0x0], $0xffff  }
0x134: {  	v11 =	vadd.s32 $0x88F0, v11;
	[tilespmem:v29+s26+$0x0] =	vst.idx.add.f32.msk $0xffff, v61  }
0x135: {  	v29 =	vmul.f32 v30, v25;
	v30 =	vadd.s32 $0x4E40, v19;
	v32 =	vld.idx.msk [tilespmem:v59+s2+$0x0], $0xffff  }
0x136: {  	v63 =	vadd.s32 $0x61D0, v16;
	v34 =	vld.idx.msk [tilespmem:v60+s2+$0x0], $0xffff  }
0x137: {  	[tilespmem:v31+s26+$0x0] =	vst.idx.add.f32.msk $0xffff, v29;
	v29 =	vadd.s32 $0x4E40, v9  }
0x138: {  	v40 =	vadd.s32 $0x61D0, v13;
	v31 =	vld.idx.msk [tilespmem:v62+s2+$0x0], $0xffff;
	v28 =	vmul.f32 v28, v24  }
0x139: {  	v11 =	vld.idx.msk [tilespmem:v11+s2+$0x0], $0xffff;
	v41 =	vadd.s32 $0x61D0, v17  }
0x13a: {  	[tilespmem:v30+s26+$0x0] =	vst.idx.add.f32.msk $0xffff, v28;
	v28 =	vadd.s32 $0x4E40, v18;
	v30 =	vmul.f32 v32, v26  }
0x13b: {  	v43 =	vadd.s32 $0x61D0, v12;
	v42 =	vld.idx.msk [tilespmem:v63+s2+$0x0], $0xffff  }
0x13c: {  	v44 =	vadd.s32 $0x7560, v15;
	v34 =	vmul.f32 v34, v22;
	[tilespmem:v29+s26+$0x0] =	vst.idx.add.f32.msk $0xffff, v30  }
0x13d: {  	v29 =	vmul.f32 v31, v25;
	v30 =	vld.idx.msk [tilespmem:v40+s2+$0x0], $0xffff;
	v31 =	vadd.s32 $0x61D0, v19  }
0x13e: {  	v16 =	vadd.s32 $0x7560, v16;
	[tilespmem:v41+s26+$0x0] =	vst.idx.add.f32.msk $0xffff, v34  }
0x13f: {  	[tilespmem:v28+s26+$0x0] =	vst.idx.add.f32.msk $0xffff, v29;
	v28 =	vadd.s32 $0x61D0, v9  }
0x140: {  	v45 =	vadd.s32 $0x7560, v13;
	v29 =	vld.idx.msk [tilespmem:v43+s2+$0x0], $0xffff;
	v32 =	vmul.f32 v42, v24  }
0x141: {  	v6 =	vadd.s32 $0x88F0, v6;
	v34 =	vld.idx.msk [tilespmem:v44+s2+$0x0], $0xffff  }
0x142: {  	[tilespmem:v31+s26+$0x0] =	vst.idx.add.f32.msk $0xffff, v32;
	v30 =	vmul.f32 v30, v26;
	v31 =	vadd.s32 $0x61D0, v18  }
0x143: {  	v46 =	vadd.s32 $0x7560, v12;
	v16 =	vld.idx.msk [tilespmem:v16+s2+$0x0], $0xffff  }
0x144: {  	v10 =	vmul.f32 v23, v10;
	v23 =	vadd.s32 $0x7560, v17;
	[tilespmem:v28+s26+$0x0] =	vst.idx.add.f32.msk $0xffff, v30  }
0x145: {  	v15 =	vadd.s32 $0x88F0, v15;
	v28 =	vmul.f32 v29, v25;
	v29 =	vld.idx.msk [tilespmem:v45+s2+$0x0], $0xffff  }
0x146: {  	[tilespmem:v6+s26+$0x0] =	vst.idx.add.f32.msk $0xffff, v10;
	v6 =	vadd.s32 $0x7560, v19  }
0x147: {  	v10 =	vmul.f32 v34, v22;
	v30 =	vadd.s32 $0x7560, v9;
	[tilespmem:v31+s26+$0x0] =	vst.idx.add.f32.msk $0xffff, v28  }
0x148: {  	v13 =	vadd.s32 $0x88F0, v13;
	v28 =	vld.idx.msk [tilespmem:v46+s2+$0x0], $0xffff  }
0x149: {  	[tilespmem:v23+s26+$0x0] =	vst.idx.add.f32.msk $0xffff, v10;
	v10 =	vmul.f32 v16, v24  }
0x14a: {  	v15 =	vld.idx.msk [tilespmem:v15+s2+$0x0], $0xffff;
	v16 =	vadd.s32 $0x7560, v18;
	v23 =	vmul.f32 v29, v26  }
0x14b: {  	v12 =	vadd.s32 $0x88F0, v12;
	[tilespmem:v6+s26+$0x0] =	vst.idx.add.f32.msk $0xffff, v10  }
0x14c: {  	v5 =	vadd.s32 $0x88F0, v5;
	[tilespmem:v30+s26+$0x0] =	vst.idx.add.f32.msk $0xffff, v23  }
0x14d: {  	v4 =	vadd.s32 $0x88F0, v4;
	v6 =	vld.idx.msk [tilespmem:v13+s2+$0x0], $0xffff;
	v10 =	vmul.f32 v28, v25  }
0x14e: {  	v3 =	vadd.s32 $0x88F0, v3;
	v13 =	vld.idx.msk [tilespmem:v20+s2+$0x0], $0xffff  }
0x14f: {  	v14 =	vmul.f32 v27, v14;
	v17 =	vadd.s32 $0x88F0, v17;
	[tilespmem:v16+s26+$0x0] =	vst.idx.add.f32.msk $0xffff, v10  }
0x150: {  	v7 =	vmul.f32 v21, v7;
	v9 =	vadd.s32 $0x88F0, v9;
	v10 =	vld.idx.msk [tilespmem:v12+s2+$0x0], $0xffff  }
0x151: {  	[tilespmem:v5+s26+$0x0] =	vst.idx.add.f32.msk $0xffff, v14;
	v5 =	vmul.f32 v11, v8;
	v8 =	vadd.s32 $0x88F0, v19  }
0x152: {  	p0 =	seq.s32 s0, $0x4;
	[tilespmem:v4+s26+$0x0] =	vst.idx.add.f32.msk $0xffff, v7;
	v7 =	vadd.s32 $0x88F0, v18;
	v4 =	vmul.f32 v15, v22  }
0x153: {  	s1 =	smul.u32 @!p0 $0x3E80, s0;
	[tilespmem:v3+s26+$0x0] =	vst.idx.add.f32.msk $0xffff, v5;
	v3 =	vmul.f32 v6, v26  }
0x154: {  	[tilespmem:v17+s26+$0x0] =	vst.idx.add.f32.msk $0xffff, v4;
	v4 =	vmul.f32 v13, v24  }
0x155: {  	s1 =	sshrl.u32 @!p0 s1, $0x3;
	[tilespmem:v9+s26+$0x0] =	vst.idx.add.f32.msk $0xffff, v3;
	v3 =	vmul.f32 v10, v25  }
0x156: {  	s1 =	sadd.s32 @!p0 $0x7D0, s1;
	[tilespmem:v8+s26+$0x0] =	vst.idx.add.f32.msk $0xffff, v4  }
0x157: {  	s17 =	simm.s32 @!p0 $0x0;
	s5 =	simm.s32 @!p0 $0x17500;
	s16 =	sadd.s32 @!p0 s3, s1;
	[tilespmem:v7+s26+$0x0] =	vst.idx.add.f32.msk $0xffff, v3  }
0x158: {  	[tilespmem:s5], [sflag:$0x4] =	stream.linear.gather @!p0 [hbm4b:s16+s17], $0x1F40, $0x38;
	[tilespmem:$0x1F300] =	vst v63  }
0x159: {  	s1 =	sadd.s32 @!p0 s4, s1;
	s5 =	simm.s32 @!p0 $0x19480  }
0x15a: {  	[tilespmem:s5], [sflag:$0x5] =	stream.linear.gather @!p0 [hbm4b:s1+s17], $0x1F40, $0x38;
	[tilespmem:$0x1F300] =	vst v63  }
0x15b: {  	_ =	swait.ge [sflag:s28], $0x1F40  }
0x15c: {  	[sflag:s28] =	ssyncset.done $0x0  }
0x15d: {  	[sflag:s28] =	ssyncadd.s32 $0xFFFFE0C0  }
0x15e: {  	_ =	swait.ge [sflag:s29], $0x1F40  }
0x15f: {  	[sflag:s29] =	ssyncset.done $0x0  }
0x160: {  	s16 =	simm.s32 $0x1D3A0;
	[sflag:s29] =	ssyncadd.s32 $0xFFFFE0C0  }
0x161: {  	s17 =	simm.s32 $0x1B420;
	v22 =	vld [tilespmem:s16+$0x10]  }
0x162: {  	v6 =	vld [tilespmem:s17+$0x10];
	_ =	sdelay $0x5  }
0x163: {  	v4 =	vld [tilespmem:s17+$0x0]  }
0x164: {  	v5 =	vld.idx.msk [tilespmem:v22+s15+$0x0], $0xffff  }
0x165: {  	v7 =	vld.idx.msk [tilespmem:v6+s14+$0x0], $0xffff  }
0x166: {  	v10 =	vld [tilespmem:s16+$0xFFFFFFF0]  }
0x167: {  	v19 =	vld [tilespmem:s16+$0x0]  }
0x168: {  	v3 =	vld [tilespmem:s17+$0xFFFFFFF0];
	_ =	sdelay $0x1  }
0x169: {  	v7 =	vadd.f32 v5, v7  }
0x16a: {  	v23 =	vld [tilespmem:s16+$0xFFFFFFE0]  }
0x16b: {  	v5 =	vld [tilespmem:s17+$0xFFFFFFE0];
	v8 =	vmul.f32 $9.999999770e-03, v7  }
0x16c: {  	v9 =	vld.idx.msk [tilespmem:v4+s14+$0x0], $0xffff;
	vm10 =	vge.f32 v7, $0.0e+00  }
0x16d: {  	v11 =	vld.idx.msk [tilespmem:v10+s15+$0x0], $0xffff;
	v7 =	vsel vm10, v7, v8  }
0x16e: {  	v8 =	vld.idx.msk [tilespmem:v19+s15+$0x0], $0xffff;
	v7 =	vsub.f32 v7, v2  }
0x16f: {  	v12 =	vld.idx.msk [tilespmem:v3+s14+$0x0], $0xffff  }
0x170: {  	v7 =	vmul.f32 $1.442695020e+00, v7;
	_ =	sdelay $0x1  }
0x171: {  	(erf) = vpow2.f32 v7  }
0x172: {  	v13 =	vld.idx.msk [tilespmem:v5+s14+$0x0], $0xffff;
	v8 =	vadd.f32 v8, v9  }
0x173: {  	v7 =	vld.idx.msk [tilespmem:v23+s15+$0x0], $0xffff;
	v9 =	vadd.f32 v11, v12  }
0x174: {  	v11 =	vmul.f32 $9.999999770e-03, v8  }
0x175: {  	vm11 =	vge.f32 v8, $0.0e+00;
	v12 =	vmul.f32 $9.999999770e-03, v9  }
0x176: {  	vm12 =	vge.f32 v9, $0.0e+00;
	v8 =	vsel vm11, v8, v11  }
0x177: {  	v9 =	vsel vm12, v9, v12;
	v8 =	vsub.f32 v8, v2  }
0x178: {  	v7 =	vadd.f32 v7, v13;
	v9 =	vsub.f32 v9, v2  }
0x179: {  	v8 =	vmul.f32 $1.442695020e+00, v8  }
0x17a: {  	v12 =	vmul.f32 $9.999999770e-03, v7;
	v9 =	vmul.f32 $1.442695020e+00, v9;
	v11 =	vpop (erf)  }
0x17b: {  	s1 =	simm.s32 $0x1B460;
	vm13 =	vge.f32 v7, $0.0e+00;
	(erf) = vpow2.f32 v8;
	[tilespmem:v6+s25+$0x0] =	vst.idx.add.f32.msk $0xffff, v11  }
0x17c: {  	v7 =	vsel vm13, v7, v12;
	(erf) = vpow2.f32 v9;
	v9 =	vld [tilespmem:s1+$0xFFFFFFE0]  }
0x17d: {  	v7 =	vsub.f32 v7, v2;
	v8 =	vld.idx.msk [tilespmem:v22+s2+$0x0], $0xffff;
	_ =	sdelay $0x1  }
0x17e: {  	v7 =	vmul.f32 $1.442695020e+00, v7;
	_ =	sdelay $0x1  }
0x17f: {  	v13 =	vadd.s32 $0x1390, v22;
	(erf) = vpow2.f32 v7  }
0x180: {  	s16 =	simm.s32 $0x1D3E0;
	v7 =	vmul.f32 v11, v8  }
0x181: {  	v12 =	vld [tilespmem:s16+$0xFFFFFFF0]  }
0x182: {  	[tilespmem:v6+s26+$0x0] =	vst.idx.add.f32.msk $0xffff, v7  }
0x183: {  	v24 =	vld.idx.msk [tilespmem:v9+s14+$0x0], $0xffff  }
0x184: {  	v13 =	vld.idx.msk [tilespmem:v13+s2+$0x0], $0xffff;
	v7 =	vpop (erf)  }
0x185: {  	[tilespmem:v4+s25+$0x0] =	vst.idx.add.f32.msk $0xffff, v7  }
0x186: {  	v16 =	vadd.s32 $0x1390, v6;
	v8 =	vpop (erf);
	v15 =	vld.idx.msk [tilespmem:v19+s2+$0x0], $0xffff  }
0x187: {  	[tilespmem:v3+s25+$0x0] =	vst.idx.add.f32.msk $0xffff, v8  }
0x188: {  	v17 =	vadd.s32 $0x2720, v22;
	v18 =	vld.idx.msk [tilespmem:v10+s2+$0x0], $0xffff;
	v14 =	vpop (erf)  }
0x189: {  	v13 =	vmul.f32 v11, v13;
	[tilespmem:v5+s25+$0x0] =	vst.idx.add.f32.msk $0xffff, v14  }
0x18a: {  	v20 =	vld.idx.msk [tilespmem:v23+s2+$0x0], $0xffff  }
0x18b: {  	[tilespmem:v16+s26+$0x0] =	vst.idx.add.f32.msk $0xffff, v13  }
0x18c: {  	v16 =	vadd.s32 $0x1390, v19;
	v13 =	vld [tilespmem:s16+$0xFFFFFFE0];
	v15 =	vmul.f32 v7, v15  }
0x18d: {  	v17 =	vld.idx.msk [tilespmem:v17+s2+$0x0], $0xffff  }
0x18e: {  	v18 =	vmul.f32 v8, v18;
	[tilespmem:v4+s26+$0x0] =	vst.idx.add.f32.msk $0xffff, v15  }
0x18f: {  	v26 =	vadd.s32 $0x1390, v23;
	v15 =	vld [tilespmem:s16+$0x10]  }
0x190: {  	v21 =	vadd.s32 $0x2720, v6;
	[tilespmem:v3+s26+$0x0] =	vst.idx.add.f32.msk $0xffff, v18  }
0x191: {  	v18 =	vadd.s32 $0x3AB0, v22;
	v20 =	vmul.f32 v14, v20;
	v25 =	vld.idx.msk [tilespmem:v16+s2+$0x0], $0xffff  }
0x192: {  	v27 =	vadd.s32 $0x1390, v10;
	v16 =	vld [tilespmem:s16+$0x0]  }
0x193: {  	v28 =	vadd.s32 $0x1390, v4;
	v17 =	vmul.f32 v17, v11;
	[tilespmem:v5+s26+$0x0] =	vst.idx.add.f32.msk $0xffff, v20  }
0x194: {  	v20 =	vld.idx.msk [tilespmem:v26+s2+$0x0], $0xffff  }
0x195: {  	[tilespmem:v21+s26+$0x0] =	vst.idx.add.f32.msk $0xffff, v17;
	v17 =	vadd.s32 $0x2720, v19  }
0x196: {  	v18 =	vld.idx.msk [tilespmem:v18+s2+$0x0], $0xffff;
	v21 =	vmul.f32 v7, v25  }
0x197: {  	v25 =	vld.idx.msk [tilespmem:v27+s2+$0x0], $0xffff  }
0x198: {  	v26 =	vadd.s32 $0x3AB0, v6;
	[tilespmem:v28+s26+$0x0] =	vst.idx.add.f32.msk $0xffff, v21  }
0x199: {  	v28 =	vld.idx.msk [tilespmem:v12+s15+$0x0], $0xffff  }
0x19a: {  	v21 =	vadd.s32 $0x1390, v5;
	v27 =	vld.idx.msk [tilespmem:v17+s2+$0x0], $0xffff  }
0x19b: {  	v30 =	vadd.s32 $0x1390, v3;
	v17 =	vld [tilespmem:s1+$0x10];
	v18 =	vmul.f32 v18, v11  }
0x19c: {  	v29 =	vadd.s32 $0x2720, v23;
	v53 =	vld.idx.msk [tilespmem:v16+s15+$0x0], $0xffff  }
0x19d: {  	v31 =	vadd.s32 $0x2720, v10;
	v20 =	vmul.f32 v14, v20;
	[tilespmem:v26+s26+$0x0] =	vst.idx.add.f32.msk $0xffff, v18  }
0x19e: {  	v25 =	vmul.f32 v8, v25;
	v26 =	vld.idx.msk [tilespmem:v15+s15+$0x0], $0xffff;
	v18 =	vadd.s32 $0x4E40, v22  }
0x19f: {  	[tilespmem:v21+s26+$0x0] =	vst.idx.add.f32.msk $0xffff, v20  }
0x1a0: {  	v20 =	vadd.s32 $0x2720, v4;
	[tilespmem:v30+s26+$0x0] =	vst.idx.add.f32.msk $0xffff, v25  }
0x1a1: {  	v21 =	vld.idx.msk [tilespmem:v29+s2+$0x0], $0xffff;
	v29 =	vadd.s32 $0x3AB0, v19  }
0x1a2: {  	v25 =	vld.idx.msk [tilespmem:v31+s2+$0x0], $0xffff  }
0x1a3: {  	v30 =	vadd.s32 $0x2720, v5;
	v27 =	vmul.f32 v27, v7;
	v31 =	vld.idx.msk [tilespmem:v18+s2+$0x0], $0xffff  }
0x1a4: {  	v47 =	vadd.s32 $0x3AB0, v23;
	v18 =	vld [tilespmem:s1+$0xFFFFFFF0]  }
0x1a5: {  	[tilespmem:v20+s26+$0x0] =	vst.idx.add.f32.msk $0xffff, v27;
	v20 =	vadd.s32 $0x2720, v3  }
0x1a6: {  	v27 =	vld.idx.msk [tilespmem:v29+s2+$0x0], $0xffff;
	v21 =	vmul.f32 v21, v14;
	v29 =	vadd.s32 $0x3AB0, v10  }
0x1a7: {  	v49 =	vadd.s32 $0x4E40, v6;
	v48 =	vld.idx.msk [tilespmem:v17+s14+$0x0], $0xffff  }
0x1a8: {  	[tilespmem:v30+s26+$0x0] =	vst.idx.add.f32.msk $0xffff, v21;
	v21 =	vmul.f32 v25, v8  }
0x1a9: {  	v25 =	vadd.s32 $0x3AB0, v4;
	v30 =	vld.idx.msk [tilespmem:v47+s2+$0x0], $0xffff  }
0x1aa: {  	v50 =	vadd.s32 $0x4E40, v19;
	v31 =	vmul.f32 v31, v11;
	[tilespmem:v20+s26+$0x0] =	vst.idx.add.f32.msk $0xffff, v21  }
0x1ab: {  	v20 =	vadd.s32 $0x61D0, v22;
	v21 =	vld.idx.msk [tilespmem:v29+s2+$0x0], $0xffff  }
0x1ac: {  	v26 =	vadd.f32 v26, v48;
	v27 =	vmul.f32 v27, v7;
	v29 =	vadd.s32 $0x3AB0, v5;
	[tilespmem:v49+s26+$0x0] =	vst.idx.add.f32.msk $0xffff, v31  }
0x1ad: {  	v31 =	vadd.s32 $0x4E40, v23;
	v57 =	vld.idx.msk [tilespmem:v18+s14+$0x0], $0xffff  }
0x1ae: {  	v33 =	vmul.f32 $9.999999770e-03, v26;
	[tilespmem:v25+s26+$0x0] =	vst.idx.add.f32.msk $0xffff, v27;
	v25 =	vadd.s32 $0x3AB0, v3  }
0x1af: {  	vm14 =	vge.f32 v26, $0.0e+00;
	v27 =	vld.idx.msk [tilespmem:v50+s2+$0x0], $0xffff;
	v30 =	vmul.f32 v30, v14  }
0x1b0: {  	v51 =	vadd.s32 $0x4E40, v10;
	v26 =	vsel vm14, v26, v33;
	v34 =	vld.idx.msk [tilespmem:v20+s2+$0x0], $0xffff  }
0x1b1: {  	v26 =	vsub.f32 v26, v2;
	[tilespmem:v29+s26+$0x0] =	vst.idx.add.f32.msk $0xffff, v30;
	v21 =	vmul.f32 v21, v8;
	v29 =	vadd.s32 $0x4E40, v4  }
0x1b2: {  	v30 =	vld.idx.msk [tilespmem:v31+s2+$0x0], $0xffff;
	v31 =	vadd.s32 $0x61D0, v19  }
0x1b3: {  	v26 =	vmul.f32 $1.442695020e+00, v26;
	[tilespmem:v25+s26+$0x0] =	vst.idx.add.f32.msk $0xffff, v21;
	v21 =	vadd.s32 $0x61D0, v6  }
0x1b4: {  	v52 =	vadd.s32 $0x7560, v22;
	v20 =	vld [tilespmem:s1+$0x0];
	v27 =	vmul.f32 v27, v7  }
0x1b5: {  	v54 =	vadd.s32 $0x4E40, v5;
	(erf) = vpow2.f32 v26;
	v25 =	vld.idx.msk [tilespmem:v51+s2+$0x0], $0xffff  }
0x1b6: {  	v55 =	vadd.s32 $0x61D0, v23;
	v34 =	vmul.f32 v34, v11;
	[tilespmem:v29+s26+$0x0] =	vst.idx.add.f32.msk $0xffff, v27  }
0x1b7: {  	v27 =	vadd.s32 $0x4E40, v3;
	v29 =	vld.idx.msk [tilespmem:v31+s2+$0x0], $0xffff  }
0x1b8: {  	v30 =	vmul.f32 v30, v14;
	[tilespmem:v21+s26+$0x0] =	vst.idx.add.f32.msk $0xffff, v34  }
0x1b9: {  	v21 =	vadd.s32 $0x61D0, v10;
	v31 =	vld.idx.msk [tilespmem:v52+s2+$0x0], $0xffff  }
0x1ba: {  	[tilespmem:v54+s26+$0x0] =	vst.idx.add.f32.msk $0xffff, v30;
	v25 =	vmul.f32 v25, v8  }
0x1bb: {  	v56 =	vadd.s32 $0x61D0, v4;
	v30 =	vld.idx.msk [tilespmem:v55+s2+$0x0], $0xffff  }
0x1bc: {  	[tilespmem:v27+s26+$0x0] =	vst.idx.add.f32.msk $0xffff, v25  }
0x1bd: {  	v26 =	vadd.s32 $0x7560, v19;
	v25 =	vld.idx.msk [tilespmem:v20+s14+$0x0], $0xffff  }
0x1be: {  	v63 =	vadd.s32 $0x88F0, v22;
	v58 =	vadd.s32 $0x61D0, v5;
	v22 =	vpop (erf);
	v27 =	vld.idx.msk [tilespmem:v21+s2+$0x0], $0xffff;
	v21 =	vmul.f32 v29, v7  }
0x1bf: {  	v29 =	vadd.s32 $0x7560, v6;
	[tilespmem:v17+s25+$0x0] =	vst.idx.add.f32.msk $0xffff, v22  }
0x1c0: {  	v59 =	vadd.s32 $0x7560, v23;
	[tilespmem:v56+s26+$0x0] =	vst.idx.add.f32.msk $0xffff, v21  }
0x1c1: {  	v21 =	vmul.f32 v31, v11;
	v31 =	vld.idx.msk [tilespmem:v13+s15+$0x0], $0xffff;
	v30 =	vmul.f32 v30, v14  }
0x1c2: {  	v60 =	vadd.s32 $0x61D0, v3;
	v33 =	vadd.f32 v28, v57;
	v61 =	vld.idx.msk [tilespmem:v26+s2+$0x0], $0xffff  }
0x1c3: {  	v62 =	vadd.s32 $0x7560, v10;
	v19 =	vadd.s32 $0x88F0, v19;
	v35 =	vadd.f32 v53, v25;
	[tilespmem:v58+s26+$0x0] =	vst.idx.add.f32.msk $0xffff, v30  }
0x1c4: {  	vm1 =	vge.f32 v33, $0.0e+00;
	v26 =	vadd.s32 $0x88F0, v23;
	v23 =	vmul.f32 $9.999999770e-03, v33;
	[tilespmem:v29+s26+$0x0] =	vst.idx.add.f32.msk $0xffff, v21  }
0x1c5: {  	v27 =	vmul.f32 v27, v8;
	v28 =	vmul.f32 $9.999999770e-03, v35;
	v30 =	vld.idx.msk [tilespmem:v59+s2+$0x0], $0xffff;
	vm15 =	vge.f32 v35, $0.0e+00  }
0x1c6: {  	v32 =	vsel vm1, v33, v23;
	v23 =	vld.idx.msk [tilespmem:v63+s2+$0x0], $0xffff;
	v25 =	vadd.f32 v31, v24;
	v24 =	vadd.s32 $0x7560, v4  }
0x1c7: {  	v21 =	vadd.s32 $0x88F0, v16;
	v29 =	vadd.s32 $0x7560, v5;
	[tilespmem:v60+s26+$0x0] =	vst.idx.add.f32.msk $0xffff, v27;
	v35 =	vsel vm15, v35, v28  }
0x1c8: {  	s17 =	simm.s32 $0x4;
	v28 =	vld.idx.msk [tilespmem:v62+s2+$0x0], $0xffff;
	v27 =	vmul.f32 v61, v7;
	v33 =	vsub.f32 v35, v2;
	v31 =	vmul.f32 $9.999999770e-03, v25  }
.LBB2_10:
0x1c9: {  	s17 =	sadd.s32 $0x4, s17;
	vm0 =	vge.f32 v25, $0.0e+00;
	v34 =	vld.idx.msk [tilespmem:v15+s2+$0x0], $0xffff;
	s16 =	sadd.s32 $0x40, s16;
	s1 =	sadd.s32 $0x40, s1;
	v35 =	vadd.s32 $0x7560, v3  }
0x1ca: {  	v32 =	vsub.f32 v32, v2;
	v30 =	vmul.f32 v30, v14;
	v36 =	vld [tilespmem:s16+$0xFFFFFFF0];
	p1 =	slt.u32 s17, $0x1F0;
	v33 =	vmul.f32 $1.442695020e+00, v33  }
0x1cb: {  	v25 =	vsel vm0, v25, v31;
	v31 =	vadd.s32 $0x88F0, v10;
	v10 =	vmov v12;
	[tilespmem:v24+s26+$0x0] =	vst.idx.add.f32.msk $0xffff, v27  }
0x1cc: {  	v37 =	vsub.f32 v25, v2;
	v24 =	vmul.f32 $1.442695020e+00, v32;
	(erf) = vpow2.f32 v33;
	[tilespmem:v29+s26+$0x0] =	vst.idx.add.f32.msk $0xffff, v30  }
0x1cd: {  	v27 =	vadd.s32 $0x88F0, v6;
	v6 =	vmov v17;
	v25 =	vld.idx.msk [tilespmem:v26+s2+$0x0], $0xffff;
	v26 =	vmul.f32 v28, v8  }
0x1ce: {  	v29 =	vadd.s32 $0x1390, v15;
	v28 =	vmul.f32 $1.442695020e+00, v37;
	v23 =	vmul.f32 v23, v11;
	v11 =	vmovc v22;
	v30 =	vld.idx.msk [tilespmem:v19+s2+$0x0], $0xffff;
	v19 =	vmovc v21  }
0x1cf: {  	v21 =	vmul.f32 v11, v34;
	(erf) = vpow2.f32 v24;
	[tilespmem:v35+s26+$0x0] =	vst.idx.add.f32.msk $0xffff, v26;
	v12 =	vmov v36  }
0x1d0: {  	v22 =	vadd.s32 $0x88F0, v5;
	v5 =	vmov v9;
	v24 =	vld.idx.msk [tilespmem:v31+s2+$0x0], $0xffff  }
0x1d1: {  	[tilespmem:v17+s26+$0x0] =	vst.idx.add.f32.msk $0xffff, v21  }
0x1d2: {  	v17 =	vadd.s32 $0x88F0, v4;
	v4 =	vmov v20;
	(erf) = vpow2.f32 v28;
	[tilespmem:v27+s26+$0x0] =	vst.idx.add.f32.msk $0xffff, v23  }
0x1d3: {  	v14 =	vmul.f32 v25, v14;
	v21 =	vld.idx.msk [tilespmem:v29+s2+$0x0], $0xffff  }
0x1d4: {  	v23 =	vadd.s32 $0x88F0, v3;
	v3 =	vmov v18;
	v25 =	vmul.f32 v30, v7;
	v9 =	vld [tilespmem:s1+$0xFFFFFFE0]  }
0x1d5: {  	v7 =	vpop (erf);
	[tilespmem:v22+s26+$0x0] =	vst.idx.add.f32.msk $0xffff, v14  }
0x1d6: {  	v14 =	vmul.f32 v24, v8;
	[tilespmem:v20+s25+$0x0] =	vst.idx.add.f32.msk $0xffff, v7  }
0x1d7: {  	[tilespmem:v17+s26+$0x0] =	vst.idx.add.f32.msk $0xffff, v25  }
0x1d8: {  	v17 =	vld.idx.msk [tilespmem:v16+s2+$0x0], $0xffff;
	v8 =	vpop (erf)  }
0x1d9: {  	v18 =	vadd.s32 $0x1390, v6;
	v20 =	vmul.f32 v11, v21;
	[tilespmem:v23+s26+$0x0] =	vst.idx.add.f32.msk $0xffff, v14  }
0x1da: {  	v21 =	vadd.s32 $0x2720, v15;
	[tilespmem:v3+s25+$0x0] =	vst.idx.add.f32.msk $0xffff, v8  }
0x1db: {  	v22 =	vld.idx.msk [tilespmem:v10+s2+$0x0], $0xffff;
	v14 =	vpop (erf)  }
0x1dc: {  	v23 =	vld.idx.msk [tilespmem:v9+s14+$0x0], $0xffff  }
0x1dd: {  	[tilespmem:v5+s25+$0x0] =	vst.idx.add.f32.msk $0xffff, v14  }
0x1de: {  	[tilespmem:v18+s26+$0x0] =	vst.idx.add.f32.msk $0xffff, v20  }
0x1df: {  	v18 =	vadd.s32 $0x1390, v16;
	v20 =	vld.idx.msk [tilespmem:v21+s2+$0x0], $0xffff  }
0x1e0: {  	v17 =	vmul.f32 v7, v17;
	v21 =	vld.idx.msk [tilespmem:v13+s2+$0x0], $0xffff  }
0x1e1: {  	v22 =	vmul.f32 v8, v22;
	v24 =	vld [tilespmem:s16+$0xFFFFFFE0]  }
0x1e2: {  	[tilespmem:v4+s26+$0x0] =	vst.idx.add.f32.msk $0xffff, v17;
	v17 =	vadd.s32 $0x2720, v6  }
0x1e3: {  	v26 =	vadd.s32 $0x3AB0, v15;
	[tilespmem:v3+s26+$0x0] =	vst.idx.add.f32.msk $0xffff, v22  }
0x1e4: {  	v18 =	vld.idx.msk [tilespmem:v18+s2+$0x0], $0xffff  }
0x1e5: {  	v27 =	vadd.s32 $0x1390, v13;
	v20 =	vmul.f32 v20, v11;
	v22 =	vld [tilespmem:s16+$0x0]  }
0x1e6: {  	v28 =	vadd.s32 $0x1390, v10;
	v25 =	vld [tilespmem:s16+$0x10]  }
0x1e7: {  	v29 =	vadd.s32 $0x1390, v4;
	v21 =	vmul.f32 v14, v21;
	[tilespmem:v17+s26+$0x0] =	vst.idx.add.f32.msk $0xffff, v20  }
0x1e8: {  	v17 =	vadd.s32 $0x2720, v16;
	v20 =	vld.idx.msk [tilespmem:v26+s2+$0x0], $0xffff  }
0x1e9: {  	[tilespmem:v5+s26+$0x0] =	vst.idx.add.f32.msk $0xffff, v21  }
0x1ea: {  	v18 =	vmul.f32 v7, v18;
	v21 =	vadd.s32 $0x88F0, v22;
	v27 =	vld.idx.msk [tilespmem:v27+s2+$0x0], $0xffff  }
0x1eb: {  	v30 =	vadd.s32 $0x3AB0, v6;
	v28 =	vld.idx.msk [tilespmem:v28+s2+$0x0], $0xffff  }
0x1ec: {  	[tilespmem:v29+s26+$0x0] =	vst.idx.add.f32.msk $0xffff, v18  }
0x1ed: {  	v18 =	vadd.s32 $0x1390, v5;
	v29 =	vld.idx.msk [tilespmem:v17+s2+$0x0], $0xffff  }
0x1ee: {  	v31 =	vadd.s32 $0x2720, v13;
	v20 =	vmul.f32 v20, v11;
	v26 =	vld.idx.msk [tilespmem:v12+s15+$0x0], $0xffff  }
0x1ef: {  	v32 =	vadd.s32 $0x1390, v3;
	v17 =	vld [tilespmem:s1+$0x10]  }
0x1f0: {  	v33 =	vadd.s32 $0x2720, v10;
	v27 =	vmul.f32 v14, v27;
	[tilespmem:v30+s26+$0x0] =	vst.idx.add.f32.msk $0xffff, v20  }
0x1f1: {  	v28 =	vmul.f32 v8, v28;
	v30 =	vadd.s32 $0x4E40, v15;
	v20 =	vld.idx.msk [tilespmem:v25+s15+$0x0], $0xffff  }
0x1f2: {  	[tilespmem:v18+s26+$0x0] =	vst.idx.add.f32.msk $0xffff, v27;
	v18 =	vadd.s32 $0x2720, v4  }
0x1f3: {  	v27 =	vld.idx.msk [tilespmem:v31+s2+$0x0], $0xffff;
	v31 =	vadd.s32 $0x3AB0, v16  }
0x1f4: {  	[tilespmem:v32+s26+$0x0] =	vst.idx.add.f32.msk $0xffff, v28  }
0x1f5: {  	v29 =	vmul.f32 v29, v7;
	v28 =	vld.idx.msk [tilespmem:v33+s2+$0x0], $0xffff  }
0x1f6: {  	v32 =	vadd.s32 $0x2720, v5;
	v30 =	vld.idx.msk [tilespmem:v30+s2+$0x0], $0xffff  }
0x1f7: {  	v33 =	vadd.s32 $0x3AB0, v13;
	[tilespmem:v18+s26+$0x0] =	vst.idx.add.f32.msk $0xffff, v29  }
0x1f8: {  	v29 =	vadd.s32 $0x2720, v3;
	v31 =	vld.idx.msk [tilespmem:v31+s2+$0x0], $0xffff  }
0x1f9: {  	v34 =	vadd.s32 $0x3AB0, v10;
	v27 =	vmul.f32 v27, v14;
	v18 =	vld [tilespmem:s1+$0xFFFFFFF0]  }
0x1fa: {  	v36 =	vadd.s32 $0x4E40, v6;
	v35 =	vld.idx.msk [tilespmem:v17+s14+$0x0], $0xffff  }
0x1fb: {  	[tilespmem:v32+s26+$0x0] =	vst.idx.add.f32.msk $0xffff, v27;
	v27 =	vmul.f32 v28, v8;
	v28 =	vadd.s32 $0x3AB0, v4  }
0x1fc: {  	v30 =	vmul.f32 v30, v11;
	v32 =	vld.idx.msk [tilespmem:v33+s2+$0x0], $0xffff;
	v33 =	vadd.s32 $0x4E40, v16  }
0x1fd: {  	[tilespmem:v29+s26+$0x0] =	vst.idx.add.f32.msk $0xffff, v27;
	v27 =	vadd.s32 $0x61D0, v15  }
0x1fe: {  	v31 =	vmul.f32 v31, v7;
	v29 =	vld.idx.msk [tilespmem:v34+s2+$0x0], $0xffff  }
0x1ff: {  	v34 =	vadd.s32 $0x3AB0, v5;
	[tilespmem:v36+s26+$0x0] =	vst.idx.add.f32.msk $0xffff, v30  }
0x200: {  	v30 =	vadd.f32 v20, v35;
	v35 =	vadd.s32 $0x4E40, v13;
	[tilespmem:v28+s26+$0x0] =	vst.idx.add.f32.msk $0xffff, v31  }
0x201: {  	v28 =	vadd.s32 $0x3AB0, v3;
	v31 =	vld.idx.msk [tilespmem:v33+s2+$0x0], $0xffff  }
0x202: {  	v36 =	vadd.s32 $0x4E40, v10;
	v33 =	vmul.f32 $9.999999770e-03, v30;
	v32 =	vmul.f32 v32, v14;
	v27 =	vld.idx.msk [tilespmem:v27+s2+$0x0], $0xffff  }
0x203: {  	vm0 =	vge.f32 v30, $0.0e+00;
	v20 =	vld [tilespmem:s1+$0x0]  }
0x204: {  	v30 =	vsel vm0, v30, v33;
	v29 =	vmul.f32 v29, v8;
	[tilespmem:v34+s26+$0x0] =	vst.idx.add.f32.msk $0xffff, v32;
	v32 =	vadd.s32 $0x4E40, v4  }
0x205: {  	v30 =	vsub.f32 v30, v2;
	v34 =	vadd.s32 $0x61D0, v16;
	v33 =	vld.idx.msk [tilespmem:v35+s2+$0x0], $0xffff  }
0x206: {  	[tilespmem:v28+s26+$0x0] =	vst.idx.add.f32.msk $0xffff, v29;
	v28 =	vadd.s32 $0x61D0, v6  }
0x207: {  	v35 =	vadd.s32 $0x7560, v15;
	v29 =	vmul.f32 $1.442695020e+00, v30;
	v31 =	vmul.f32 v31, v7;
	v30 =	vld.idx.msk [tilespmem:v36+s2+$0x0], $0xffff  }
0x208: {  	v37 =	vadd.s32 $0x4E40, v5;
	v27 =	vmul.f32 v27, v11;
	v36 =	vld.idx.msk [tilespmem:v22+s15+$0x0], $0xffff  }
0x209: {  	v38 =	vadd.s32 $0x61D0, v13;
	[tilespmem:v32+s26+$0x0] =	vst.idx.add.f32.msk $0xffff, v31  }
0x20a: {  	v31 =	vadd.s32 $0x4E40, v3;
	v32 =	vld.idx.msk [tilespmem:v34+s2+$0x0], $0xffff  }
0x20b: {  	v33 =	vmul.f32 v33, v14;
	[tilespmem:v28+s26+$0x0] =	vst.idx.add.f32.msk $0xffff, v27  }
0x20c: {  	v27 =	vadd.s32 $0x61D0, v10;
	v28 =	vld.idx.msk [tilespmem:v35+s2+$0x0], $0xffff  }
0x20d: {  	v30 =	vmul.f32 v30, v8;
	[tilespmem:v37+s26+$0x0] =	vst.idx.add.f32.msk $0xffff, v33  }
0x20e: {  	v33 =	vadd.s32 $0x61D0, v4;
	(erf) = vpow2.f32 v29;
	v29 =	vld.idx.msk [tilespmem:v38+s2+$0x0], $0xffff  }
0x20f: {  	[tilespmem:v31+s26+$0x0] =	vst.idx.add.f32.msk $0xffff, v30  }
0x210: {  	v31 =	vadd.s32 $0x7560, v16;
	v16 =	vmov v22;
	v30 =	vld.idx.msk [tilespmem:v20+s14+$0x0], $0xffff  }
0x211: {  	v22 =	vmul.f32 v32, v7;
	v32 =	vadd.s32 $0x7560, v6;
	v27 =	vld.idx.msk [tilespmem:v27+s2+$0x0], $0xffff  }
0x212: {  	v35 =	vadd.s32 $0x61D0, v5;
	v28 =	vmul.f32 v28, v11;
	v34 =	vld.idx.msk [tilespmem:v18+s14+$0x0], $0xffff  }
0x213: {  	v37 =	vadd.s32 $0x7560, v13;
	[tilespmem:v33+s26+$0x0] =	vst.idx.add.f32.msk $0xffff, v22  }
0x214: {  	v33 =	vld.idx.msk [tilespmem:v24+s15+$0x0], $0xffff  }
0x215: {  	v38 =	vadd.s32 $0x61D0, v3;
	v29 =	vmul.f32 v29, v14;
	v31 =	vld.idx.msk [tilespmem:v31+s2+$0x0], $0xffff  }
0x216: {  	v39 =	vadd.s32 $0x7560, v10;
	v36 =	vadd.f32 v36, v30;
	[tilespmem:v32+s26+$0x0] =	vst.idx.add.f32.msk $0xffff, v28  }
0x217: {  	v27 =	vmul.f32 v27, v8;
	v22 =	vpop (erf);
	[tilespmem:v35+s26+$0x0] =	vst.idx.add.f32.msk $0xffff, v29;
	v35 =	vadd.s32 $0x88F0, v15;
	v15 =	vmov v25  }
.Ltmp4:
0x218: {  	v32 =	vadd.f32 v26, v34;
	v28 =	vmul.f32 $9.999999770e-03, v36;
	v30 =	vld.idx.msk [tilespmem:v37+s2+$0x0], $0xffff;
	(pc) =	sbr.rel @p1 .LBB2_10-.Ltmp4, $4  }
0x219: {  	vm0 =	vge.f32 v36, $0.0e+00;
	v29 =	vadd.s32 $0x7560, v5;
	v26 =	vadd.s32 $0x88F0, v13;
	v13 =	vmovc v24;
	[tilespmem:v17+s25+$0x0] =	vst.idx.add.f32.msk $0xffff, v22  }
0x21a: {  	v24 =	vadd.s32 $0x7560, v4;
	v25 =	vadd.f32 v33, v23;
	v23 =	vmul.f32 $9.999999770e-03, v32;
	[tilespmem:v38+s26+$0x0] =	vst.idx.add.f32.msk $0xffff, v27  }
0x21b: {  	vm1 =	vge.f32 v32, $0.0e+00;
	v33 =	vsel vm0, v36, v28;
	v27 =	vmul.f32 v31, v7;
	v28 =	vld.idx.msk [tilespmem:v39+s2+$0x0], $0xffff  }
0x21c: {  	v33 =	vsub.f32 v33, v2;
	v31 =	vmul.f32 $9.999999770e-03, v25;
	v32 =	vsel vm1, v32, v23;
	v23 =	vld.idx.msk [tilespmem:v35+s2+$0x0], $0xffff  }
0x21d: {  	vm0 =	vge.f32 v25, $0.0e+00  }
0x21e: {  	v32 =	vsub.f32 v32, v2;
	v25 =	vsel vm0, v25, v31  }
0x21f: {  	v33 =	vmul.f32 $1.442695020e+00, v33;
	v25 =	vsub.f32 v25, v2  }
0x220: {  	v32 =	vmul.f32 $1.442695020e+00, v32  }
0x221: {  	(erf) = vpow2.f32 v33;
	v25 =	vmul.f32 $1.442695020e+00, v25  }
0x222: {  	v34 =	vld.idx.msk [tilespmem:v15+s2+$0x0], $0xffff;
	(erf) = vpow2.f32 v32  }
0x223: {  	v63 =	vadd.s32 $0x7560, v3;
	(erf) = vpow2.f32 v25  }
0x224: {  	[tilespmem:v24+s26+$0x0] =	vst.idx.add.f32.msk $0xffff, v27;
	v30 =	vmul.f32 v30, v14  }
0x225: {  	v39 =	vadd.s32 $0x1390, v15;
	v19 =	vld.idx.msk [tilespmem:v19+s2+$0x0], $0xffff  }
0x226: {  	[tilespmem:v29+s26+$0x0] =	vst.idx.add.f32.msk $0xffff, v30;
	v28 =	vmul.f32 v28, v8  }
0x227: {  	v26 =	vld.idx.msk [tilespmem:v26+s2+$0x0], $0xffff;
	v40 =	vmul.f32 v22, v34  }
0x228: {  	[tilespmem:v63+s26+$0x0] =	vst.idx.add.f32.msk $0xffff, v28  }
0x229: {  	[tilespmem:v17+s26+$0x0] =	vst.idx.add.f32.msk $0xffff, v40  }
0x22a: {  	v41 =	vld.idx.msk [tilespmem:v39+s2+$0x0], $0xffff;
	v24 =	vpop (erf)  }
0x22b: {  	[tilespmem:v20+s25+$0x0] =	vst.idx.add.f32.msk $0xffff, v24;
	v25 =	vpop (erf)  }
0x22c: {  	v42 =	vadd.s32 $0x1390, v17;
	v45 =	vld.idx.msk [tilespmem:v16+s2+$0x0], $0xffff;
	v27 =	vpop (erf)  }
0x22d: {  	v43 =	vadd.s32 $0x2720, v15;
	[tilespmem:v9+s25+$0x0] =	vst.idx.add.f32.msk $0xffff, v27  }
0x22e: {  	v47 =	vld.idx.msk [tilespmem:v13+s2+$0x0], $0xffff  }
0x22f: {  	v46 =	vadd.s32 $0x1390, v16;
	v44 =	vmul.f32 v22, v41;
	[tilespmem:v18+s25+$0x0] =	vst.idx.add.f32.msk $0xffff, v25  }
0x230: {  	v37 =	vld.idx.msk [tilespmem:v12+s2+$0x0], $0xffff  }
0x231: {  	v48 =	vadd.s32 $0x1390, v13;
	[tilespmem:v42+s26+$0x0] =	vst.idx.add.f32.msk $0xffff, v44;
	v33 =	vmul.f32 v24, v45  }
0x232: {  	v31 =	vld.idx.msk [tilespmem:v43+s2+$0x0], $0xffff  }
0x233: {  	v38 =	vadd.s32 $0x1390, v12;
	[tilespmem:v20+s26+$0x0] =	vst.idx.add.f32.msk $0xffff, v33;
	v34 =	vmul.f32 v27, v47  }
0x234: {  	v35 =	vadd.s32 $0x2720, v17;
	v32 =	vld.idx.msk [tilespmem:v46+s2+$0x0], $0xffff  }
0x235: {  	v36 =	vadd.s32 $0x3AB0, v15;
	v49 =	vmul.f32 v25, v37;
	[tilespmem:v9+s26+$0x0] =	vst.idx.add.f32.msk $0xffff, v34  }
0x236: {  	v50 =	vadd.s32 $0x1390, v20;
	v33 =	vld.idx.msk [tilespmem:v48+s2+$0x0], $0xffff  }
0x237: {  	v51 =	vadd.s32 $0x2720, v16;
	v31 =	vmul.f32 v31, v22;
	[tilespmem:v18+s26+$0x0] =	vst.idx.add.f32.msk $0xffff, v49  }
0x238: {  	v54 =	vadd.s32 $0x1390, v9;
	v53 =	vld.idx.msk [tilespmem:v38+s2+$0x0], $0xffff  }
0x239: {  	v55 =	vadd.s32 $0x2720, v13;
	[tilespmem:v35+s26+$0x0] =	vst.idx.add.f32.msk $0xffff, v31;
	v32 =	vmul.f32 v24, v32  }
0x23a: {  	v57 =	vadd.s32 $0x1390, v18;
	v31 =	vld.idx.msk [tilespmem:v36+s2+$0x0], $0xffff  }
0x23b: {  	v58 =	vadd.s32 $0x2720, v12;
	[tilespmem:v50+s26+$0x0] =	vst.idx.add.f32.msk $0xffff, v32;
	v33 =	vmul.f32 v27, v33  }
0x23c: {  	v10 =	vadd.s32 $0x88F0, v10;
	v32 =	vld.idx.msk [tilespmem:v51+s2+$0x0], $0xffff  }
0x23d: {  	v6 =	vadd.s32 $0x88F0, v6;
	v60 =	vmul.f32 v25, v53;
	[tilespmem:v54+s26+$0x0] =	vst.idx.add.f32.msk $0xffff, v33  }
0x23e: {  	v61 =	vadd.s32 $0x2720, v20;
	v29 =	vld.idx.msk [tilespmem:v55+s2+$0x0], $0xffff  }
0x23f: {  	v62 =	vadd.s32 $0x3AB0, v16;
	[tilespmem:v57+s26+$0x0] =	vst.idx.add.f32.msk $0xffff, v60  }
0x240: {  	v11 =	vmul.f32 v23, v11;
	v40 =	vadd.s32 $0x2720, v9;
	v56 =	vmul.f32 v31, v22;
	v31 =	vld.idx.msk [tilespmem:v58+s2+$0x0], $0xffff  }
0x241: {  	v10 =	vld.idx.msk [tilespmem:v10+s2+$0x0], $0xffff;
	v41 =	vadd.s32 $0x3AB0, v13;
	v32 =	vmul.f32 v32, v24  }
0x242: {  	[tilespmem:v6+s26+$0x0] =	vst.idx.add.f32.msk $0xffff, v11;
	v42 =	vadd.s32 $0x2720, v18  }
0x243: {  	v44 =	vadd.s32 $0x3AB0, v12;
	[tilespmem:v61+s26+$0x0] =	vst.idx.add.f32.msk $0xffff, v32;
	v29 =	vmul.f32 v29, v27  }
0x244: {  	v52 =	vadd.s32 $0x3AB0, v17;
	v33 =	vld.idx.msk [tilespmem:v62+s2+$0x0], $0xffff  }
0x245: {  	v59 =	vadd.s32 $0x4E40, v15;
	v45 =	vmul.f32 v31, v25;
	[tilespmem:v40+s26+$0x0] =	vst.idx.add.f32.msk $0xffff, v29  }
0x246: {  	v46 =	vadd.s32 $0x3AB0, v20;
	v34 =	vld.idx.msk [tilespmem:v41+s2+$0x0], $0xffff  }
0x247: {  	v47 =	vadd.s32 $0x4E40, v16;
	[tilespmem:v42+s26+$0x0] =	vst.idx.add.f32.msk $0xffff, v45  }
0x248: {  	v49 =	vadd.s32 $0x3AB0, v9;
	v28 =	vld.idx.msk [tilespmem:v44+s2+$0x0], $0xffff  }
0x249: {  	v51 =	vadd.s32 $0x4E40, v13;
	[tilespmem:v52+s26+$0x0] =	vst.idx.add.f32.msk $0xffff, v56;
	v48 =	vmul.f32 v33, v24  }
0x24a: {  	v52 =	vadd.s32 $0x3AB0, v18;
	v30 =	vld.idx.msk [tilespmem:v59+s2+$0x0], $0xffff  }
0x24b: {  	v53 =	vadd.s32 $0x4E40, v12;
	[tilespmem:v46+s26+$0x0] =	vst.idx.add.f32.msk $0xffff, v48;
	v34 =	vmul.f32 v34, v27  }
0x24c: {  	v43 =	vadd.s32 $0x4E40, v17;
	v31 =	vld.idx.msk [tilespmem:v47+s2+$0x0], $0xffff  }
0x24d: {  	v50 =	vadd.s32 $0x61D0, v15;
	v28 =	vmul.f32 v28, v25;
	[tilespmem:v49+s26+$0x0] =	vst.idx.add.f32.msk $0xffff, v34  }
0x24e: {  	v54 =	vadd.s32 $0x4E40, v20;
	v33 =	vld.idx.msk [tilespmem:v51+s2+$0x0], $0xffff  }
0x24f: {  	v55 =	vadd.s32 $0x61D0, v16;
	v30 =	vmul.f32 v30, v22;
	[tilespmem:v52+s26+$0x0] =	vst.idx.add.f32.msk $0xffff, v28  }
0x250: {  	v59 =	vadd.s32 $0x4E40, v9;
	v58 =	vld.idx.msk [tilespmem:v53+s2+$0x0], $0xffff  }
0x251: {  	v60 =	vadd.s32 $0x61D0, v13;
	[tilespmem:v43+s26+$0x0] =	vst.idx.add.f32.msk $0xffff, v30;
	v57 =	vmul.f32 v31, v24  }
0x252: {  	v61 =	vadd.s32 $0x4E40, v18;
	v30 =	vld.idx.msk [tilespmem:v50+s2+$0x0], $0xffff  }
0x253: {  	v62 =	vadd.s32 $0x61D0, v12;
	[tilespmem:v54+s26+$0x0] =	vst.idx.add.f32.msk $0xffff, v57;
	v33 =	vmul.f32 v33, v27  }
0x254: {  	v56 =	vadd.s32 $0x61D0, v17;
	v34 =	vld.idx.msk [tilespmem:v55+s2+$0x0], $0xffff  }
0x255: {  	v63 =	vadd.s32 $0x7560, v15;
	v31 =	vmul.f32 v58, v25;
	[tilespmem:v59+s26+$0x0] =	vst.idx.add.f32.msk $0xffff, v33  }
0x256: {  	v36 =	vadd.s32 $0x61D0, v20;
	v29 =	vld.idx.msk [tilespmem:v60+s2+$0x0], $0xffff  }
0x257: {  	v37 =	vadd.s32 $0x7560, v16;
	v30 =	vmul.f32 v30, v22;
	[tilespmem:v61+s26+$0x0] =	vst.idx.add.f32.msk $0xffff, v31  }
0x258: {  	v38 =	vadd.s32 $0x61D0, v9;
	v28 =	vld.idx.msk [tilespmem:v62+s2+$0x0], $0xffff  }
0x259: {  	v40 =	vadd.s32 $0x7560, v13;
	[tilespmem:v56+s26+$0x0] =	vst.idx.add.f32.msk $0xffff, v30;
	v39 =	vmul.f32 v34, v24  }
0x25a: {  	v41 =	vadd.s32 $0x61D0, v18;
	v30 =	vld.idx.msk [tilespmem:v63+s2+$0x0], $0xffff  }
0x25b: {  	v42 =	vadd.s32 $0x7560, v12;
	[tilespmem:v36+s26+$0x0] =	vst.idx.add.f32.msk $0xffff, v39;
	v29 =	vmul.f32 v29, v27  }
0x25c: {  	v43 =	vadd.s32 $0x7560, v17;
	v16 =	vld.idx.msk [tilespmem:v37+s2+$0x0], $0xffff  }
0x25d: {  	v44 =	vadd.s32 $0x88F0, v15;
	v28 =	vmul.f32 v28, v25;
	[tilespmem:v38+s26+$0x0] =	vst.idx.add.f32.msk $0xffff, v29  }
0x25e: {  	v45 =	vadd.s32 $0x7560, v20;
	v29 =	vld.idx.msk [tilespmem:v40+s2+$0x0], $0xffff  }
0x25f: {  	v46 =	vmul.f32 v30, v22;
	[tilespmem:v41+s26+$0x0] =	vst.idx.add.f32.msk $0xffff, v28  }
0x260: {  	v47 =	vadd.s32 $0x7560, v9;
	v28 =	vld.idx.msk [tilespmem:v42+s2+$0x0], $0xffff  }
0x261: {  	v48 =	vadd.s32 $0x88F0, v13;
	[tilespmem:v43+s26+$0x0] =	vst.idx.add.f32.msk $0xffff, v46;
	v49 =	vmul.f32 v16, v24  }
0x262: {  	v50 =	vadd.s32 $0x7560, v18;
	v15 =	vld.idx.msk [tilespmem:v44+s2+$0x0], $0xffff  }
0x263: {  	v52 =	vadd.s32 $0x88F0, v12;
	[tilespmem:v45+s26+$0x0] =	vst.idx.add.f32.msk $0xffff, v49;
	v51 =	vmul.f32 v29, v27  }
0x264: {  	v4 =	vadd.s32 $0x88F0, v4;
	v55 =	vld.idx.msk [tilespmem:v21+s2+$0x0], $0xffff  }
0x265: {  	v5 =	vadd.s32 $0x88F0, v5;
	v54 =	vmul.f32 v28, v25;
	[tilespmem:v47+s26+$0x0] =	vst.idx.add.f32.msk $0xffff, v51  }
0x266: {  	v3 =	vadd.s32 $0x88F0, v3;
	v53 =	vld.idx.msk [tilespmem:v48+s2+$0x0], $0xffff  }
0x267: {  	v7 =	vmul.f32 v19, v7;
	v57 =	vadd.s32 $0x88F0, v17;
	[tilespmem:v50+s26+$0x0] =	vst.idx.add.f32.msk $0xffff, v54  }
0x268: {  	v56 =	vmul.f32 v26, v14;
	v58 =	vadd.s32 $0x88F0, v9;
	v11 =	vld.idx.msk [tilespmem:v52+s2+$0x0], $0xffff  }
0x269: {  	[tilespmem:v4+s26+$0x0] =	vst.idx.add.f32.msk $0xffff, v7;
	v59 =	vmul.f32 v10, v8;
	v60 =	vadd.s32 $0x88F0, v20  }
0x26a: {  	[tilespmem:v5+s26+$0x0] =	vst.idx.add.f32.msk $0xffff, v56;
	v62 =	vadd.s32 $0x88F0, v18;
	v61 =	vmul.f32 v15, v22  }
.Ltmp5:
0x26b: {  	[tilespmem:v3+s26+$0x0] =	vst.idx.add.f32.msk $0xffff, v59;
	v3 =	vmul.f32 v53, v27;
	(pc) =	sbr.rel @p0 .LBB2_13-.Ltmp5, $4  }
0x26c: {  	[tilespmem:v57+s26+$0x0] =	vst.idx.add.f32.msk $0xffff, v61;
	v63 =	vmul.f32 v55, v24  }
0x26d: {  	[tilespmem:v58+s26+$0x0] =	vst.idx.add.f32.msk $0xffff, v3;
	v3 =	vmul.f32 v11, v25  }
0x26e: {  	[tilespmem:v60+s26+$0x0] =	vst.idx.add.f32.msk $0xffff, v63  }
0x26f: {  	[tilespmem:v62+s26+$0x0] =	vst.idx.add.f32.msk $0xffff, v3  }
0x270: {  	s1 =	smul.u32 $0x3E80, s0;
	_ =	sdelay $0x1  }
0x271: {  	s1 =	sshrl.u32 s1, $0x3  }
.Ltmp6:
0x272: {  	s1 =	sadd.s32 $0xBB8, s1;
	(pc) =	sbr.rel .LBB2_7-.Ltmp6, $4  }
0x273: {  	s5 =	sadd.s32 s3, s1  }
0x274: {  	[tilespmem:s18], [sflag:$0x6] =	stream.linear.gather [hbm4b:s5+s2], $0x1F40, $0x38;
	[tilespmem:$0x1F300] =	vst v63  }
0x275: {  	s0 =	sadd.s32 $0x1, s0;
	s1 =	sadd.s32 s4, s1  }
0x276: {  	[tilespmem:s19], [sflag:$0x7] =	stream.linear.gather [hbm4b:s1+s2], $0x1F40, $0x38;
	[tilespmem:$0x1F300] =	vst v63  }
.LBB2_13:
0x277: {  	s1 =	simm.s32 $0x0  }
0x278: {  	v2 =	vld [tilespmem:s1+$0x16100];
	_ =	sdelay $0x1  }
0x279: {  	v16 =	vld [tilespmem:s1+$0x9C80]  }
0x27a: {  	v9 =	vld [tilespmem:s1+$0xB010]  }
0x27b: {  	v5 =	vld [tilespmem:s1+$0xC3A0]  }
0x27c: {  	v6 =	vld [tilespmem:s1+$0xD730];
	v2 =	vadd.f32 $9.000000350e-15, v2  }
0x27d: {  	v11 =	vld [tilespmem:s1+$0xEAC0]  }
0x27e: {  	v7 =	vld [tilespmem:s1+$0xFE50];
	(erf) = vrcp.f32 v2  }
0x27f: {  	s0 =	simm.s32 $0x10;
	v12 =	vld [tilespmem:s1+$0x111E0]  }
0x280: {  	v3 =	vld [tilespmem:s0+$0x16100]  }
0x281: {  	v8 =	vld [tilespmem:s0+$0xB010]  }
0x282: {  	v17 =	vld [tilespmem:s1+$0x12570]  }
0x283: {  	v14 =	vld [tilespmem:s0+$0xC3A0]  }
0x284: {  	v13 =	vld [tilespmem:s0+$0xD730]  }
0x285: {  	v4 =	vld [tilespmem:s0+$0xEAC0];
	v10 =	vadd.f32 $9.000000350e-15, v3  }
0x286: {  	v3 =	vld [tilespmem:s0+$0xFE50]  }
0x287: {  	v2 =	vld [tilespmem:s0+$0x9C80];
	(erf) = vrcp.f32 v10;
	v15 =	vpop (erf)  }
0x288: {  	s16 =	simm.s32 $0x20;
	s17 =	simm.s32 $0xC0;
	v10 =	vld [tilespmem:s0+$0x111E0];
	v16 =	vmul.f32 v15, v16;
	v17 =	vmul.f32 v17, v15  }
.LBB2_14:
0x289: {  	p0 =	sne.s32 s17, $0x4E00;
	v18 =	vld [tilespmem:s16+$0x16100];
	v19 =	vmul.f32 v9, v15;
	v20 =	vmul.f32 v5, v15;
	v9 =	vmovc v8;
	v5 =	vmov v14;
	s5 =	smov.u32 s0;
	s0 =	smov.u32 s16  }
0x28a: {  	v22 =	vmul.f32 v6, v15;
	v23 =	vmul.f32 v11, v15;
	v21 =	vld [tilespmem:s0+$0x9C80];
	[tilespmem:s1+$0x12570] =	vst v17;
	v6 =	vmov v13  }
0x28b: {  	v24 =	vmul.f32 v12, v15;
	v8 =	vld [tilespmem:s0+$0xB010];
	[tilespmem:s1+$0x9C80] =	vst v16;
	v16 =	vmul.f32 v7, v15;
	v11 =	vmov v4  }
0x28c: {  	v17 =	vld [tilespmem:s5+$0x12570];
	[tilespmem:s1+$0xB010] =	vst v19;
	v7 =	vmov v3  }
.Ltmp7:
0x28d: {  	v14 =	vld [tilespmem:s0+$0xC3A0];
	[tilespmem:s1+$0xC3A0] =	vst v20;
	v12 =	vmov v10;
	(pc) =	sbr.rel @p0 .LBB2_14-.Ltmp7, $4  }
0x28e: {  	v10 =	vadd.f32 $9.000000350e-15, v18;
	v13 =	vld [tilespmem:s0+$0xD730];
	[tilespmem:s1+$0xD730] =	vst v22  }
0x28f: {  	v4 =	vld [tilespmem:s0+$0xEAC0];
	[tilespmem:s1+$0xEAC0] =	vst v23  }
0x290: {  	v3 =	vld [tilespmem:s0+$0xFE50];
	(erf) = vrcp.f32 v10;
	v15 =	vpop (erf);
	[tilespmem:s1+$0xFE50] =	vst v16  }
0x291: {  	s16 =	sshra.s32 s17, $0x2;
	s17 =	sadd.s32 $0x40, s17;
	v10 =	vld [tilespmem:s0+$0x111E0];
	v16 =	vmul.f32 v15, v2;
	v17 =	vmul.f32 v17, v15;
	[tilespmem:s1+$0x111E0] =	vst v24;
	v2 =	vmov v21;
	s1 =	smov.u32 s5  }
0x292: {  	v18 =	vld [tilespmem:s16+$0x16100];
	_ =	sdelay $0x2  }
0x293: {  	v9 =	vmul.f32 v9, v15;
	[tilespmem:s1+$0x12570] =	vst v17  }
0x294: {  	v5 =	vmul.f32 v5, v15;
	v47 =	vld [tilespmem:s0+$0x12570];
	[tilespmem:s1+$0x9C80] =	vst v16  }
0x295: {  	v6 =	vmul.f32 v6, v15;
	[tilespmem:s1+$0xB010] =	vst v9;
	v48 =	vadd.f32 $9.000000350e-15, v18  }
0x296: {  	v11 =	vmul.f32 v11, v15;
	[tilespmem:s1+$0xC3A0] =	vst v5  }
0x297: {  	v49 =	vmul.f32 v7, v15;
	[tilespmem:s1+$0xD730] =	vst v6;
	(erf) = vrcp.f32 v48  }
0x298: {  	v50 =	vmul.f32 v12, v15;
	[tilespmem:s1+$0xEAC0] =	vst v11;
	v51 =	vpop (erf)  }
0x299: {  	[tilespmem:s1+$0xFE50] =	vst v49;
	v52 =	vmul.f32 v47, v51  }
0x29a: {  	[tilespmem:s1+$0x111E0] =	vst v50;
	v2 =	vmul.f32 v51, v2  }
0x29b: {  	v8 =	vmul.f32 v8, v51;
	[tilespmem:s0+$0x12570] =	vst v52  }
0x29c: {  	v54 =	vmul.f32 v14, v51;
	[tilespmem:s0+$0x9C80] =	vst v2;
	v2 =	vld [tilespmem:s16+$0x12570]  }
0x29d: {  	v53 =	vld [tilespmem:s16+$0x9C80];
	v56 =	vmul.f32 v13, v51;
	[tilespmem:s0+$0xB010] =	vst v8  }
0x29e: {  	v55 =	vld [tilespmem:s16+$0xB010];
	v4 =	vmul.f32 v4, v51;
	[tilespmem:s0+$0xC3A0] =	vst v54  }
0x29f: {  	v58 =	vld [tilespmem:s16+$0xD730];
	v3 =	vmul.f32 v3, v51;
	[tilespmem:s0+$0xD730] =	vst v56  }
0x2a0: {  	v59 =	vld [tilespmem:s16+$0xEAC0];
	v7 =	vmul.f32 v10, v51;
	[tilespmem:s0+$0xEAC0] =	vst v4;
	v60 =	vpop (erf)  }
0x2a1: {  	v57 =	vld [tilespmem:s16+$0xC3A0];
	[tilespmem:s0+$0xFE50] =	vst v3;
	v2 =	vmul.f32 v2, v60  }
0x2a2: {  	v3 =	vld [tilespmem:s16+$0x111E0];
	[tilespmem:s0+$0x111E0] =	vst v7;
	v6 =	vmul.f32 v60, v53  }
0x2a3: {  	v61 =	vld [tilespmem:s16+$0xFE50];
	v62 =	vmul.f32 v55, v60;
	[tilespmem:s16+$0x12570] =	vst v2  }
0x2a4: {  	v5 =	vmul.f32 v58, v60;
	[tilespmem:s16+$0x9C80] =	vst v6  }
0x2a5: {  	v63 =	vmul.f32 v59, v60;
	[tilespmem:s16+$0xB010] =	vst v62  }
0x2a6: {  	v2 =	vmul.f32 v57, v60;
	[tilespmem:s16+$0xD730] =	vst v5  }
0x2a7: {  	v3 =	vmul.f32 v3, v60;
	[tilespmem:s16+$0xEAC0] =	vst v63  }
0x2a8: {  	[tilespmem:s16+$0xC3A0] =	vst v2;
	v2 =	vmul.f32 v61, v60  }
0x2a9: {  	s31 =	sadd.s32 $0x1, s31;
	[tilespmem:s16+$0x111E0] =	vst v3  }
0x2aa: {  	p0 =	sne.s32 s31, s11;
	[tilespmem:s16+$0xFE50] =	vst v2  }
.Ltmp8:
0x2ab: {  	s0 =	rddreg [dreg:$0x3];
	(pc) =	sbr.rel @p0 .LBB2_2-.Ltmp8, $4  }
0x2ac: {  	[hbm4b:s0+s12] =	stream.strided.scatter [tilespmem:s26], [sflag:$0x8], $0x9C80, s13, s12, $0x38;
	[tilespmem:$0x1F300] =	vst v63  }
0x2ad: {  	_ =	swait.ge [sflag:s30], $0x9C80  }
0x2ae: {  	[sflag:s30] =	ssyncset.done $0x0  }
0x2af: {  	[sflag:s30] =	ssyncadd.s32 $0xFFFF6380  }
.LBB2_16:
0x2b0: {  	_ =	sfence.sel $0x180000  }
0x2b1: {  	[bflag:$0x0] =	sbarrier.arrive $0xFFFF  }
0x2b2: {  	_ =	strace $0x90000047  }
0x2b3: {  	s0 =	stileid.u32;
	[bflag:$0x2] =	sbarrier.arrive $0xFFFF  }
0x2b4: {  	p0 =	sne.s32 s0, $0x0;
	s0 =	rddreg [dreg:$0x2]  }
0x2b5: {  	s0 =	sadd.s32 @!p0 $0x100000, s0  }
0x2b6: {  	[sflag:s0] =	ssyncadd.tile.s32 @!p0 $0x1;
	_ =	shalt  }
.Lfunc_end2:
_tile_overlayer_lowered:
.L_overlay_start_2:
0x2b7: {  	(tag) =	ssettag $0x2  }
0x2b8: {  	s0 =	rddreg [dreg:$0x0];
	s2 =	stileid.u32  }
0x2b9: {  	s1 =	rddreg [dreg:$0x1];
	p0 =	sne.s32 s2, $0x0  }
0x2ba: {  	s3 =	rddreg [dreg:$0x2];
	[bflag:$0x3] =	sbarrier.arrive $0xFFFF;
	s2 =	simm.s32 @!p0 $0x1C08  }
0x2bb: {  	[timem:s3], [sflag:s2] =	dma.local @!p0 [hbm:s0], s1  }
0x2bc: {  	s0 =	simm.s32 @!p0 $0x8  }
0x2bd: {  	_ =	swait.ge @!p0 [sflag:s0], s1  }
0x2be: {  	s1 =	ssub.s32 @!p0 $0x0, s1;
	[sflag:s0] =	ssyncset.done @!p0 $0x0  }
0x2bf: {  	[sflag:s0] =	ssyncadd.s32 @!p0 s1  }
0x2c0: {  	[bflag:$0x3] =	sbarrier.arrive $0xFFFF  }
0x2c1: {  	_ =	shalt  }

</sc_bundles>
